<compile_context>
chip_gen: v7x
topology: tpu7x:2x2x1
jax: 0.10.2.dev20260603
libtpu: 0.0.44.dev20260713+nightly
codegen_flags: <defaults>
</compile_context>

<pallas_src>
import functools

import jax
import jax.numpy as jnp
from jax import lax
from jax.experimental import pallas as pl
from jax.experimental.pallas import tpu as pltpu
from jax.experimental.pallas import tpu_sc as plsc

EPS = 1e-5
LANES = 128
BT = 192
BF = 1408


def _ln_router_body(hs_ref, lnw_ref, lnb_ref, rw_ref,
                    xhat_ref, ia_ref, ib_ref, oa_ref, ob_ref,
                    pa_ref, pb_ref, cnt_ref, poff_ref, texp_ref, txs_ref,
                    tv_ref, fw_ref, carry):
    t = pl.program_id(0)

    @pl.when(t == 0)
    def _init():
        carry[...] = jnp.zeros_like(carry)

    x = hs_ref[...]
    mu = jnp.mean(x, axis=-1, keepdims=True)
    var = jnp.mean((x - mu) ** 2, axis=-1, keepdims=True)
    xhat = (x - mu) * jax.lax.rsqrt(var + EPS)
    xhat = xhat * lnw_ref[...] + lnb_ref[...]
    xhat_ref[...] = xhat.astype(jnp.bfloat16)

    logits = jnp.dot(xhat, rw_ref[...], preferred_element_type=jnp.float32)
    iota = jax.lax.broadcasted_iota(jnp.int32, logits.shape, 1)
    valid = iota < 8
    neg = jnp.float32(-1e30)
    logits = jnp.where(valid, logits, neg)
    m = jnp.max(logits, axis=-1, keepdims=True)
    ex = jnp.where(valid, jnp.exp(logits - m), 0.0)
    scores = ex / jnp.sum(ex, axis=-1, keepdims=True)
    s = jnp.where(valid, scores, neg)
    m1 = jnp.max(s, axis=-1, keepdims=True)
    i1 = jnp.min(jnp.where(s == m1, iota, LANES), axis=-1, keepdims=True)
    s2 = jnp.where(iota == i1, neg, s)
    m2 = jnp.max(s2, axis=-1, keepdims=True)
    i2 = jnp.min(jnp.where(s2 == m2, iota, LANES), axis=-1, keepdims=True)
    ia_ref[...] = i1
    ib_ref[...] = i2
    pa_ref[...] = m1
    pb_ref[...] = m2

    oh1 = (iota == i1).astype(jnp.float32)
    oh2 = (iota == i2).astype(jnp.float32)
    row_tot = oh1 + oh2
    r = jax.lax.broadcasted_iota(jnp.int32, (row_tot.shape[0],) * 2, 0)
    c = jax.lax.broadcasted_iota(jnp.int32, (row_tot.shape[0],) * 2, 1)
    tri = (r > c).astype(jnp.float32)
    excl = jnp.dot(tri, row_tot, preferred_element_type=jnp.float32)
    base = carry[...]
    occ1 = jnp.sum((excl + base) * oh1, axis=-1, keepdims=True)
    occ2 = jnp.sum((excl + base + oh1) * oh2, axis=-1, keepdims=True)
    oa_ref[...] = occ1.astype(jnp.int32)
    ob_ref[...] = occ2.astype(jnp.int32)
    new_carry = base + jnp.sum(row_tot, axis=0, keepdims=True)
    carry[...] = new_carry
    cnt_ref[...] = new_carry.astype(jnp.int32)

    nt = jnp.floor((new_carry + (BT - 1)) * (1.0 / BT))
    r2 = jax.lax.broadcasted_iota(jnp.int32, (LANES, LANES), 0)
    c2 = jax.lax.broadcasted_iota(jnp.int32, (LANES, LANES), 1)
    tri2 = (r2 <= c2).astype(jnp.float32)
    tcum = jnp.dot(nt, tri2, preferred_element_type=jnp.float32)
    tstart = tcum - nt
    poff_ref[...] = (tstart * BT).astype(jnp.int32)
    lane2 = jax.lax.broadcasted_iota(jnp.int32, (32, LANES), 1)
    icol = jax.lax.broadcasted_iota(jnp.int32, (32, 1), 0).astype(jnp.float32)
    tot = jnp.sum(jnp.where(lane2 == 7, tcum, 0.0), axis=-1, keepdims=True)
    isrc = jnp.minimum(icol, tot - 1.0)
    texp = jnp.sum(((tcum <= isrc) & (lane2 < 8)).astype(jnp.float32),
                   axis=-1, keepdims=True)
    sel = (lane2 == texp.astype(jnp.int32)).astype(jnp.float32)
    cE = jnp.sum(new_carry * sel, axis=-1, keepdims=True)
    tsE = jnp.sum(tstart * sel, axis=-1, keepdims=True)
    tv = jnp.clip(cE - (isrc - tsE) * BT, 0.0, 1.0 * BT)
    tv = jnp.where(icol < tot, tv, 0.0)
    texp_ref[...] = texp.astype(jnp.int32)
    txs_ref[...] = isrc.astype(jnp.int32)
    tv_ref[...] = tv.astype(jnp.int32)
    fw = (isrc == tsE) & (icol < tot)
    fw_ref[...] = fw.astype(jnp.int32)


def _ln_router_call(hidden_states, ln_w, ln_b, router_w):
    T, D = hidden_states.shape
    E = router_w.shape[1]
    BT1 = 256
    rw_pad = jnp.zeros((D, LANES), jnp.float32).at[:, :E].set(router_w)
    col = lambda dt: jax.ShapeDtypeStruct((T, 1), dt)
    colspec = pl.BlockSpec((BT1, 1), lambda t: (t, 0))
    return pl.pallas_call(
        _ln_router_body,
        grid=(T // BT1,),
        in_specs=[
            pl.BlockSpec((BT1, D), lambda t: (t, 0)),
            pl.BlockSpec((1, D), lambda t: (0, 0)),
            pl.BlockSpec((1, D), lambda t: (0, 0)),
            pl.BlockSpec((D, LANES), lambda t: (0, 0)),
        ],
        out_specs=[
            pl.BlockSpec((BT1, D), lambda t: (t, 0)),
            colspec, colspec, colspec, colspec, colspec, colspec,
            pl.BlockSpec((1, LANES), lambda t: (0, 0)),
            pl.BlockSpec((1, LANES), lambda t: (0, 0)),
            pl.BlockSpec((32, 1), lambda t: (0, 0)),
            pl.BlockSpec((32, 1), lambda t: (0, 0)),
            pl.BlockSpec((32, 1), lambda t: (0, 0)),
            pl.BlockSpec((32, 1), lambda t: (0, 0)),
        ],
        out_shape=[
            jax.ShapeDtypeStruct((T, D), jnp.bfloat16),
            col(jnp.int32), col(jnp.int32), col(jnp.int32), col(jnp.int32),
            col(jnp.float32), col(jnp.float32),
            jax.ShapeDtypeStruct((1, LANES), jnp.int32),
            jax.ShapeDtypeStruct((1, LANES), jnp.int32),
            jax.ShapeDtypeStruct((32, 1), jnp.int32),
            jax.ShapeDtypeStruct((32, 1), jnp.int32),
            jax.ShapeDtypeStruct((32, 1), jnp.int32),
            jax.ShapeDtypeStruct((32, 1), jnp.int32),
        ],
        scratch_shapes=[pltpu.VMEM((1, LANES), jnp.float32)],
    )(hidden_states, ln_w.reshape(1, D), ln_b.reshape(1, D), rw_pad)


def _make_route(T, NP, NTILE):
    NPAIR = T
    mesh = plsc.VectorSubcoreMesh(core_axis_name="c", subcore_axis_name="s")
    i32, f32 = jnp.int32, jnp.float32

    @functools.partial(
        pl.kernel, mesh=mesh,
        compiler_params=pltpu.CompilerParams(needs_layout_passes=False),
        out_type=[
            jax.ShapeDtypeStruct((NPAIR,), i32),
            jax.ShapeDtypeStruct((NPAIR,), i32),
            jax.ShapeDtypeStruct((NP,), i32),
            jax.ShapeDtypeStruct((NP,), f32),
        ],
        scratch_types=[
            pltpu.VMEM((NPAIR,), i32), pltpu.VMEM((NPAIR,), i32),
            pltpu.VMEM((NPAIR,), i32), pltpu.VMEM((NPAIR,), i32),
            pltpu.VMEM((NPAIR,), f32), pltpu.VMEM((NPAIR,), f32),
            pltpu.VMEM((NPAIR,), i32), pltpu.VMEM((NPAIR,), i32),
            pltpu.VMEM((NP,), i32), pltpu.VMEM((NP,), f32),
            pltpu.VMEM((16,), i32),
            pltpu.SemaphoreType.DMA,
        ],
    )
    def route(ia, ib, oa, ob, pa, pb, poff,
              ppa_o, ppb_o, rt_o, rw_o,
              ia_v, ib_v, oa_v, ob_v, pa_v, pb_v, ppa_v, ppb_v,
              rt_v, rw_v, poff_v, sem):
        wid = lax.axis_index("s") * 2 + lax.axis_index("c")

        @pl.when(wid == 0)
        def _():
            pltpu.sync_copy(ia, ia_v)
            pltpu.sync_copy(ib, ib_v)
            pltpu.sync_copy(oa, oa_v)
            pltpu.sync_copy(ob, ob_v)
            pltpu.sync_copy(pa, pa_v)
            pltpu.sync_copy(pb, pb_v)
            pltpu.sync_copy(poff.at[pl.ds(0, 16)], poff_v)

            def zero_body(i, _):
                sl = pl.ds(i * 16, 16)
                rt_v[sl] = jnp.zeros((16,), i32)
                rw_v[sl] = jnp.zeros((16,), f32)
                return 0
            lax.fori_loop(0, NP // 16, zero_body, 0)

            lane = jax.lax.broadcasted_iota(i32, (16,), 0)

            def scat_body(iv, ov, pv, ppv):
                def body(i, _):
                    sl = pl.ds(i * 16, 16)
                    e = iv[sl]
                    po = plsc.load_gather(poff_v, [e])
                    pp = po + ov[sl]
                    ppv[sl] = pp
                    plsc.store_scatter(rt_v, [pp], lane + i * 16)
                    plsc.store_scatter(rw_v, [pp], pv[sl])
                    return 0
                lax.fori_loop(0, NPAIR // 16, body, 0)

            scat_body(ia_v, oa_v, pa_v, ppa_v)
            scat_body(ib_v, ob_v, pb_v, ppb_v)

            pltpu.sync_copy(ppa_v, ppa_o)
            pltpu.sync_copy(ppb_v, ppb_o)
            pltpu.sync_copy(rt_v, rt_o)
            pltpu.sync_copy(rw_v, rw_o)

    return route


def _moe_sparse_body(te_ref, tx_ref, tv_ref, fw_ref,
                     xh_ref, rt_ref, rw_ref, wg_ref, wu_ref, wd_ref, out_ref,
                     wgb_ref, wub_ref, wdb_ref):
    w = pl.program_id(0)
    nf = pl.program_id(1)

    BFH = wg_ref.shape[2]

    @pl.when(fw_ref[w] == 1)
    def _cast():
        sl = pl.ds(nf * BFH, BFH)
        wgb_ref[:, sl] = wg_ref[0].astype(jnp.bfloat16)
        wub_ref[:, sl] = wu_ref[0].astype(jnp.bfloat16)
        wdb_ref[sl, :] = wd_ref[0].astype(jnp.bfloat16)

    @pl.when((nf == 1) & (tv_ref[w] > 0))
    def _work():
        rt_col = rt_ref[...]
        tok = jax.lax.broadcasted_iota(jnp.int32,
                                       (BT, xh_ref.shape[0]), 1)
        p = (tok == rt_col).astype(jnp.bfloat16)
        x = jnp.dot(p, xh_ref[...],
                    preferred_element_type=jnp.float32).astype(jnp.bfloat16)
        g = jnp.dot(x, wgb_ref[...], preferred_element_type=jnp.float32)
        u = jnp.dot(x, wub_ref[...], preferred_element_type=jnp.float32)
        h = ((g * jax.nn.sigmoid(g)) * u).astype(jnp.bfloat16)
        y = jnp.dot(h, wdb_ref[...], preferred_element_type=jnp.float32)
        out_ref[...] = y * rw_ref[...]


def _moe_sparse_call(xhat_b, rt2d, rw2d, w_gate, w_up, w_down,
                     texp, txsrc, tvalid, fw):
    T, D = xhat_b.shape
    NP = rt2d.shape[0]
    F = w_gate.shape[2]
    NTILE = NP // BT
    BFH = F // 2

    def _wcol(w, nf, te, tx, tv, fwr):
        return (te[w], 0, jnp.where(fwr[w] == 1, nf, 1))

    def _wrow(w, nf, te, tx, tv, fwr):
        return (te[w], jnp.where(fwr[w] == 1, nf, 1), 0)

    grid_spec = pltpu.PrefetchScalarGridSpec(
        num_scalar_prefetch=4,
        grid=(NTILE, 2),
        in_specs=[
            pl.BlockSpec((T, D), lambda w, nf, te, tx, tv, fwr: (0, 0)),
            pl.BlockSpec((BT, 1), lambda w, nf, te, tx, tv, fwr: (tx[w], 0)),
            pl.BlockSpec((BT, 1), lambda w, nf, te, tx, tv, fwr: (tx[w], 0)),
            pl.BlockSpec((1, D, BFH), _wcol),
            pl.BlockSpec((1, D, BFH), _wcol),
            pl.BlockSpec((1, BFH, D), _wrow),
        ],
        out_specs=pl.BlockSpec((BT, D), lambda w, nf, te, tx, tv, fwr: (w, 0)),
        scratch_shapes=[
            pltpu.VMEM((D, F), jnp.bfloat16),
            pltpu.VMEM((D, F), jnp.bfloat16),
            pltpu.VMEM((F, D), jnp.bfloat16),
        ],
    )
    return pl.pallas_call(
        _moe_sparse_body,
        grid_spec=grid_spec,
        out_shape=jax.ShapeDtypeStruct((NP, D), jnp.float32),
        compiler_params=pltpu.CompilerParams(
            vmem_limit_bytes=110 * 1024 * 1024),
    )(texp, txsrc, tvalid, fw, xhat_b, rt2d, rw2d, w_gate, w_up, w_down)


def _make_combine(T, NP, D):
    mesh = plsc.VectorSubcoreMesh(core_axis_name="c", subcore_axis_name="s")
    tok_per = T // 32
    CH = 32
    nch = tok_per // CH

    @functools.partial(
        pl.kernel, mesh=mesh,
        compiler_params=pltpu.CompilerParams(needs_layout_passes=False),
        out_type=jax.ShapeDtypeStruct((T, D), jnp.float32),
        scratch_types=[
            pltpu.VMEM((tok_per,), jnp.int32),
            pltpu.VMEM((tok_per,), jnp.int32),
            pltpu.VMEM((CH, D), jnp.float32),
            pltpu.VMEM((CH, D), jnp.float32),
            pltpu.SemaphoreType.DMA,
            pltpu.SemaphoreType.DMA,
        ],
    )
    def combine(ppa, ppb, ys, out, ia_v, ib_v, bufa, bufb, sem, semb):
        wid = lax.axis_index("s") * 2 + lax.axis_index("c")
        base = wid * tok_per
        pltpu.sync_copy(ppa.at[pl.ds(base, tok_per)], ia_v)
        pltpu.sync_copy(ppb.at[pl.ds(base, tok_per)], ib_v)
        for c in range(nch):
            cpa = pltpu.async_copy(ys.at[ia_v.at[pl.ds(c * CH, CH)]],
                                   bufa, sem)
            cpb = pltpu.async_copy(ys.at[ib_v.at[pl.ds(c * CH, CH)]],
                                   bufb, semb)
            cpa.wait()
            cpb.wait()

            def row_body(r, _):
                def lane_body(l, _2):
                    sl = pl.ds(l * 16, 16)
                    bufa[r, sl] = bufa[r, sl] + bufb[r, sl]
                    return 0
                lax.fori_loop(0, D // 16, lane_body, 0)
                return 0
            lax.fori_loop(0, CH, row_body, 0)
            pltpu.sync_copy(bufa, out.at[pl.ds(base + c * CH, CH)])

    return combine


def kernel(hidden_states, ln_w, ln_b, router_w, w_gate, w_up, w_down):
    T, D = hidden_states.shape
    E = router_w.shape[1]
    K = 2
    NTILE = -(-(T * K) // BT) + E
    NP = NTILE * BT

    (xhat, ia, ib, oa, ob, pa, pb, cnts, poff, texp, txsrc,
     tvalid, fw) = _ln_router_call(hidden_states, ln_w, ln_b, router_w)

    route = _make_route(T, NP, NTILE)
    ppa, ppb, row_token, row_weight = route(
        ia.reshape(T), ib.reshape(T), oa.reshape(T), ob.reshape(T),
        pa.reshape(T), pb.reshape(T), poff.reshape(LANES))

    ys = _moe_sparse_call(xhat,
                          row_token.reshape(NP, 1),
                          row_weight.reshape(NP, 1),
                          w_gate, w_up, w_down, texp.reshape(32),
                          txsrc.reshape(32), tvalid.reshape(32),
                          fw.reshape(32))

    combine = _make_combine(T, NP, D)
    out = combine(ppa, ppb, ys)
    return out

# --- scband reference (transcript-rebuilt; emitter-appended) ---
"""Pipeline reference for scband-layer-norm-mo-elayer-15032385536475 (READ-ONLY COPY).

The authoritative reference and input builder live on the scoring server;
editing this copy changes nothing except your own understanding.
"""

import jax, jax.numpy as jnp
import numpy as np

T = 2048   # tokens (batch=1 * seq_len=2048)
D = 1024   # hidden_dim
E = 8      # num_experts
K = 2      # top_k
F = 2816   # expert ffn dim
EPS = 1e-5


def setup_inputs(seed: int = 0) -> dict:
    key = jax.random.key(seed)
    ks = jax.random.split(key, 6)
    hidden_states = jax.random.normal(ks[0], (T, D), dtype=jnp.float32)
    ln_w = jnp.ones((D,), dtype=jnp.float32)
    ln_b = jnp.zeros((D,), dtype=jnp.float32)
    router_w = jax.random.normal(ks[1], (D, E), dtype=jnp.float32) * (D ** -0.5)
    w_gate = jax.random.normal(ks[2], (E, D, F), dtype=jnp.float32) * (D ** -0.5)
    w_up = jax.random.normal(ks[3], (E, D, F), dtype=jnp.float32) * (D ** -0.5)
    w_down = jax.random.normal(ks[4], (E, F, D), dtype=jnp.float32) * (F ** -0.5)
    return {
        'hidden_states': hidden_states,
        'ln_w': ln_w,
        'ln_b': ln_b,
        'router_w': router_w,
        'w_gate': w_gate,
        'w_up': w_up,
        'w_down': w_down,
    }


def _layer_norm(x, w, b):
    mu = jnp.mean(x, axis=-1, keepdims=True)
    var = jnp.mean((x - mu) ** 2, axis=-1, keepdims=True)
    xhat = (x - mu) / jnp.sqrt(var + EPS)
    return xhat * w + b


def reference(hidden_states, ln_w, ln_b, router_w, w_gate, w_up, w_down):
    # 1) LayerNorm
    x = _layer_norm(hidden_states, ln_w, ln_b)
    # 2) TopK router: softmax over experts, then top-k probs/indices
    logits = x @ router_w                       # [T, E]
    scores = jax.nn.softmax(logits, axis=-1)    # [T, E]
    probs, indices = jax.lax.top_k(scores, K)   # [T, K], [T, K]
    # 3) Token dispatch combine weights: comb[t, e] = sum_j probs[t, j] * 1[indices[t, j] == e]
    onehot = jax.nn.one_hot(indices, E, dtype=x.dtype)  # [T, K, E]
    comb = jnp.einsum('tk,tke->te', probs, onehot)      # [T, E]
    # 4) Expert MLPs (gated SiLU, LLaMA-style SequentialMLP) + weighted unpermute/combine
    out = jnp.zeros_like(x)
    for e in range(E):
        h = jax.nn.silu(x @ w_gate[e]) * (x @ w_up[e])  # [T, F]
        y = h @ w_down[e]                               # [T, D]
        out = out + comb[:, e:e + 1] * y
    return out


if False:  # reference __main__ guard neutralized (emitter)
    inp = setup_inputs()
    o = reference(**inp)
    print(o.shape, o.dtype)

if __name__ == "__main__":
    import jax
    _d = setup_inputs()
    print(jax.jit(kernel)(*tuple(_d.values())))

</pallas_src>

<mosaic_0001>
#map = affine_map<(d0, d1) -> (0)>
#map1 = affine_map<(d0, d1) -> (0, 0)>
module attributes {stable_mosaic.version = 14 : i64} {
  func.func @combine(%arg0: i32, %arg1: i32, %arg2: memref<2048xi32, #tpu.memory_space<hbm>>, %arg3: memref<2048xi32, #tpu.memory_space<hbm>>, %arg4: memref<5760x1024xf32, #tpu.memory_space<hbm>>, %arg5: memref<2048x1024xf32, #tpu.memory_space<hbm>>, %arg6: memref<64xi32, #tpu.memory_space<vmem>>, %arg7: memref<64xi32, #tpu.memory_space<vmem>>, %arg8: memref<32x1024xf32, #tpu.memory_space<vmem>>, %arg9: memref<32x1024xf32, #tpu.memory_space<vmem>>, %arg10: memref<!tpu.dma_semaphore, #tpu.memory_space<semaphore_mem>>, %arg11: memref<!tpu.dma_semaphore, #tpu.memory_space<semaphore_mem>>) attributes {dimension_semantics = [#tpu.dimension_semantics<core_parallel>, #tpu.dimension_semantics<subcore_parallel>], iteration_bounds = array<i64: 2, 16>, scalar_prefetch = 0 : i64, scratch_operands = 6 : i64, tpu.core_type = #tpu.core_type<sc_vector_subcore>, window_params = [{transform_indices = #map}, {transform_indices = #map}, {transform_indices = #map1}, {transform_indices = #map1}]} {
    %mul3A = arith.constant 2 : i32
    %mul3A_0 = arith.muli %arg1, %mul3A : i32
    %add3A = arith.addi %mul3A_0, %arg0 : i32
    %mul3A_1 = arith.constant 64 : i32
    %mul3A_2 = arith.muli %add3A, %mul3A_1 : i32
    "tpu.region"() ({
      %run_scoped3A = tpu.sem_alloc : memref<!tpu.dma_semaphore, #tpu.memory_space<semaphore_mem>>
      %dma_start3A_58 = tpu.memref_slice %arg2[%mul3A_2] : memref<2048xi32, #tpu.memory_space<hbm>> -> memref<64xi32, #tpu.memory_space<hbm>>
      %dma_start3A_59 = tpu.memref_slice %arg2[%mul3A_2] : memref<2048xi32, #tpu.memory_space<hbm>> -> memref<64xi32, #tpu.memory_space<hbm>>
      tpu.enqueue_dma source(%dma_start3A_59 : memref<64xi32, #tpu.memory_space<hbm>>) target(%arg6 : memref<64xi32, #tpu.memory_space<vmem>>) target_semaphore(%run_scoped3A : memref<!tpu.dma_semaphore, #tpu.memory_space<semaphore_mem>>)
      %dma_wait3A_60 = tpu.memref_slice %arg2[%mul3A_2] : memref<2048xi32, #tpu.memory_space<hbm>> -> memref<64xi32, #tpu.memory_space<hbm>>
      %dma_wait3A_61 = tpu.memref_slice %arg2[%mul3A_2] : memref<2048xi32, #tpu.memory_space<hbm>> -> memref<64xi32, #tpu.memory_space<hbm>>
      tpu.wait_dma2 semaphore(%run_scoped3A : memref<!tpu.dma_semaphore, #tpu.memory_space<semaphore_mem>>) src(%dma_wait3A_61 : memref<64xi32, #tpu.memory_space<hbm>>) dst(%arg6 : memref<64xi32, #tpu.memory_space<vmem>>)
      tpu.yield
    }) : () -> ()
    "tpu.region"() ({
      %run_scoped3A = tpu.sem_alloc : memref<!tpu.dma_semaphore, #tpu.memory_space<semaphore_mem>>
      %dma_start3A_58 = tpu.memref_slice %arg3[%mul3A_2] : memref<2048xi32, #tpu.memory_space<hbm>> -> memref<64xi32, #tpu.memory_space<hbm>>
      %dma_start3A_59 = tpu.memref_slice %arg3[%mul3A_2] : memref<2048xi32, #tpu.memory_space<hbm>> -> memref<64xi32, #tpu.memory_space<hbm>>
      tpu.enqueue_dma source(%dma_start3A_59 : memref<64xi32, #tpu.memory_space<hbm>>) target(%arg7 : memref<64xi32, #tpu.memory_space<vmem>>) target_semaphore(%run_scoped3A : memref<!tpu.dma_semaphore, #tpu.memory_space<semaphore_mem>>)
      %dma_wait3A_60 = tpu.memref_slice %arg3[%mul3A_2] : memref<2048xi32, #tpu.memory_space<hbm>> -> memref<64xi32, #tpu.memory_space<hbm>>
      %dma_wait3A_61 = tpu.memref_slice %arg3[%mul3A_2] : memref<2048xi32, #tpu.memory_space<hbm>> -> memref<64xi32, #tpu.memory_space<hbm>>
      tpu.wait_dma2 semaphore(%run_scoped3A : memref<!tpu.dma_semaphore, #tpu.memory_space<semaphore_mem>>) src(%dma_wait3A_61 : memref<64xi32, #tpu.memory_space<hbm>>) dst(%arg7 : memref<64xi32, #tpu.memory_space<vmem>>)
      tpu.yield
    }) : () -> ()
    %dma_start3A = arith.constant 0 : i32
    %dma_start3A_3 = tpu.memref_slice %arg6[%dma_start3A] : memref<64xi32, #tpu.memory_space<vmem>> -> memref<32xi32, #tpu.memory_space<vmem>>
    %dma_start3A_4 = arith.constant 0 : i32
    %dma_start3A_5 = arith.constant 0 : i32
    %dma_start3A_6 = tpu.memref_slice %arg4[%dma_start3A_4, %dma_start3A_5] : memref<5760x1024xf32, #tpu.memory_space<hbm>> -> memref<5760x1024xf32, #tpu.memory_space<hbm>>
    tpu.enqueue_indirect_dma source(%dma_start3A_6 : memref<5760x1024xf32, #tpu.memory_space<hbm>>) target(%arg8 : memref<32x1024xf32, #tpu.memory_space<vmem>>) offsets(%dma_start3A_3 : memref<32xi32, #tpu.memory_space<vmem>>) semaphore(%arg10 : memref<!tpu.dma_semaphore, #tpu.memory_space<semaphore_mem>>)
    %dma_start3A_7 = arith.constant 0 : i32
    %dma_start3A_8 = tpu.memref_slice %arg7[%dma_start3A_7] : memref<64xi32, #tpu.memory_space<vmem>> -> memref<32xi32, #tpu.memory_space<vmem>>
    %dma_start3A_9 = arith.constant 0 : i32
    %dma_start3A_10 = arith.constant 0 : i32
    %dma_start3A_11 = tpu.memref_slice %arg4[%dma_start3A_9, %dma_start3A_10] : memref<5760x1024xf32, #tpu.memory_space<hbm>> -> memref<5760x1024xf32, #tpu.memory_space<hbm>>
    tpu.enqueue_indirect_dma source(%dma_start3A_11 : memref<5760x1024xf32, #tpu.memory_space<hbm>>) target(%arg9 : memref<32x1024xf32, #tpu.memory_space<vmem>>) offsets(%dma_start3A_8 : memref<32xi32, #tpu.memory_space<vmem>>) semaphore(%arg11 : memref<!tpu.dma_semaphore, #tpu.memory_space<semaphore_mem>>)
    %dma_wait3A = arith.constant 0 : i32
    %dma_wait3A_12 = tpu.memref_slice %arg6[%dma_wait3A] : memref<64xi32, #tpu.memory_space<vmem>> -> memref<32xi32, #tpu.memory_space<vmem>>
    %dma_wait3A_13 = arith.constant 0 : i32
    %dma_wait3A_14 = arith.constant 0 : i32
    %dma_wait3A_15 = tpu.memref_slice %arg4[%dma_wait3A_13, %dma_wait3A_14] : memref<5760x1024xf32, #tpu.memory_space<hbm>> -> memref<5760x1024xf32, #tpu.memory_space<hbm>>
    tpu.wait_indirect_dma semaphore(%arg10 : memref<!tpu.dma_semaphore, #tpu.memory_space<semaphore_mem>>) src(%dma_wait3A_15 : memref<5760x1024xf32, #tpu.memory_space<hbm>>) dst(%arg8 : memref<32x1024xf32, #tpu.memory_space<vmem>>)
    %dma_wait3A_16 = arith.constant 0 : i32
    %dma_wait3A_17 = tpu.memref_slice %arg7[%dma_wait3A_16] : memref<64xi32, #tpu.memory_space<vmem>> -> memref<32xi32, #tpu.memory_space<vmem>>
    %dma_wait3A_18 = arith.constant 0 : i32
    %dma_wait3A_19 = arith.constant 0 : i32
    %dma_wait3A_20 = tpu.memref_slice %arg4[%dma_wait3A_18, %dma_wait3A_19] : memref<5760x1024xf32, #tpu.memory_space<hbm>> -> memref<5760x1024xf32, #tpu.memory_space<hbm>>
    tpu.wait_indirect_dma semaphore(%arg11 : memref<!tpu.dma_semaphore, #tpu.memory_space<semaphore_mem>>) src(%dma_wait3A_20 : memref<5760x1024xf32, #tpu.memory_space<hbm>>) dst(%arg9 : memref<32x1024xf32, #tpu.memory_space<vmem>>)
    %scan3A = arith.constant 0 : i32
    %scan3A_21 = arith.constant 0 : i32
    %scan3A_22 = arith.constant 32 : i32
    %scan3A_23 = arith.addi %scan3A_21, %scan3A_22 : i32
    %scan3A_24 = arith.constant 1 : i32
    %scan3A_25 = scf.for %scan3A_58 = %scan3A_21 to %scan3A_23 step %scan3A_24 iter_args(%scan3A_59 = %scan3A) -> (i32)  : i32 {
      %scan3A_60 = arith.constant 0 : i32
      %scan3A_61 = arith.constant 0 : i32
      %scan3A_62 = arith.constant 64 : i32
      %scan3A_63 = arith.addi %scan3A_61, %scan3A_62 : i32
      %scan3A_64 = arith.constant 1 : i32
      %scan3A_65 = scf.for %scan3A_68 = %scan3A_61 to %scan3A_63 step %scan3A_64 iter_args(%scan3A_69 = %scan3A_60) -> (i32)  : i32 {
        %mul3A_70 = arith.constant 16 : i32
        %mul3A_71 = arith.muli %scan3A_68, %mul3A_70 : i32
        %get3A = arith.index_cast %scan3A_58 : i32 to index
        %get3A_72 = arith.index_cast %mul3A_71 : i32 to index
        %get3A_73 = tpu.vector_load %arg8[%get3A, %get3A_72] {strides = array<i32>} : memref<32x1024xf32, #tpu.memory_space<vmem>>, vector<16xf32>,
        %get3A_74 = arith.index_cast %scan3A_58 : i32 to index
        %get3A_75 = arith.index_cast %mul3A_71 : i32 to index
        %get3A_76 = tpu.vector_load %arg9[%get3A_74, %get3A_75] {strides = array<i32>} : memref<32x1024xf32, #tpu.memory_space<vmem>>, vector<16xf32>,
        %add3A_77 = arith.addf %get3A_73, %get3A_76 : vector<16xf32>
        %swap3A = arith.index_cast %scan3A_58 : i32 to index
        %swap3A_78 = arith.index_cast %mul3A_71 : i32 to index
        %swap3A_79 = tpu.vector_load %arg8[%swap3A, %swap3A_78] {strides = array<i32>} : memref<32x1024xf32, #tpu.memory_space<vmem>>, vector<16xf32>,
        tpu.vector_store %arg8[%swap3A, %swap3A_78], %add3A_77 {strides = array<i32>} : memref<32x1024xf32, #tpu.memory_space<vmem>>, vector<16xf32>,
        %scan3A_80 = arith.constant 0 : i32
        scf.yield %scan3A_80 : i32
      }
      %scan3A_66 = arith.constant 64 : i32
      %scan3A_67 = arith.constant 0 : i32
      scf.yield %scan3A_67 : i32
    }
    %scan3A_26 = arith.constant 32 : i32
    %add3A_27 = arith.constant 0 : i32
    %add3A_28 = arith.addi %mul3A_2, %add3A_27 : i32
    "tpu.region"() ({
      %run_scoped3A = tpu.sem_alloc : memref<!tpu.dma_semaphore, #tpu.memory_space<semaphore_mem>>
      %dma_start3A_58 = arith.constant 0 : i32
      %dma_start3A_59 = tpu.memref_slice %arg5[%add3A_28, %dma_start3A_58] : memref<2048x1024xf32, #tpu.memory_space<hbm>> -> memref<32x1024xf32, #tpu.memory_space<hbm>>
      %dma_start3A_60 = arith.constant 0 : i32
      %dma_start3A_61 = tpu.memref_slice %arg5[%add3A_28, %dma_start3A_60] : memref<2048x1024xf32, #tpu.memory_space<hbm>> -> memref<32x1024xf32, #tpu.memory_space<hbm>>
      tpu.enqueue_dma source(%arg8 : memref<32x1024xf32, #tpu.memory_space<vmem>>) target(%dma_start3A_61 : memref<32x1024xf32, #tpu.memory_space<hbm>>) target_semaphore(%run_scoped3A : memref<!tpu.dma_semaphore, #tpu.memory_space<semaphore_mem>>)
      %dma_wait3A_62 = arith.constant 0 : i32
      %dma_wait3A_63 = tpu.memref_slice %arg5[%add3A_28, %dma_wait3A_62] : memref<2048x1024xf32, #tpu.memory_space<hbm>> -> memref<32x1024xf32, #tpu.memory_space<hbm>>
      %dma_wait3A_64 = arith.constant 0 : i32
      %dma_wait3A_65 = tpu.memref_slice %arg5[%add3A_28, %dma_wait3A_64] : memref<2048x1024xf32, #tpu.memory_space<hbm>> -> memref<32x1024xf32, #tpu.memory_space<hbm>>
      tpu.wait_dma2 semaphore(%run_scoped3A : memref<!tpu.dma_semaphore, #tpu.memory_space<semaphore_mem>>) src(%arg8 : memref<32x1024xf32, #tpu.memory_space<vmem>>) dst(%dma_wait3A_65 : memref<32x1024xf32, #tpu.memory_space<hbm>>)
      tpu.yield
    }) : () -> ()
    %dma_start3A_29 = arith.constant 32 : i32
    %dma_start3A_30 = tpu.memref_slice %arg6[%dma_start3A_29] : memref<64xi32, #tpu.memory_space<vmem>> -> memref<32xi32, #tpu.memory_space<vmem>>
    %dma_start3A_31 = arith.constant 0 : i32
    %dma_start3A_32 = arith.constant 0 : i32
    %dma_start3A_33 = tpu.memref_slice %arg4[%dma_start3A_31, %dma_start3A_32] : memref<5760x1024xf32, #tpu.memory_space<hbm>> -> memref<5760x1024xf32, #tpu.memory_space<hbm>>
    tpu.enqueue_indirect_dma source(%dma_start3A_33 : memref<5760x1024xf32, #tpu.memory_space<hbm>>) target(%arg8 : memref<32x1024xf32, #tpu.memory_space<vmem>>) offsets(%dma_start3A_30 : memref<32xi32, #tpu.memory_space<vmem>>) semaphore(%arg10 : memref<!tpu.dma_semaphore, #tpu.memory_space<semaphore_mem>>)
    %dma_start3A_34 = arith.constant 32 : i32
    %dma_start3A_35 = tpu.memref_slice %arg7[%dma_start3A_34] : memref<64xi32, #tpu.memory_space<vmem>> -> memref<32xi32, #tpu.memory_space<vmem>>
    %dma_start3A_36 = arith.constant 0 : i32
    %dma_start3A_37 = arith.constant 0 : i32
    %dma_start3A_38 = tpu.memref_slice %arg4[%dma_start3A_36, %dma_start3A_37] : memref<5760x1024xf32, #tpu.memory_space<hbm>> -> memref<5760x1024xf32, #tpu.memory_space<hbm>>
    tpu.enqueue_indirect_dma source(%dma_start3A_38 : memref<5760x1024xf32, #tpu.memory_space<hbm>>) target(%arg9 : memref<32x1024xf32, #tpu.memory_space<vmem>>) offsets(%dma_start3A_35 : memref<32xi32, #tpu.memory_space<vmem>>) semaphore(%arg11 : memref<!tpu.dma_semaphore, #tpu.memory_space<semaphore_mem>>)
    %dma_wait3A_39 = arith.constant 32 : i32
    %dma_wait3A_40 = tpu.memref_slice %arg6[%dma_wait3A_39] : memref<64xi32, #tpu.memory_space<vmem>> -> memref<32xi32, #tpu.memory_space<vmem>>
    %dma_wait3A_41 = arith.constant 0 : i32
    %dma_wait3A_42 = arith.constant 0 : i32
    %dma_wait3A_43 = tpu.memref_slice %arg4[%dma_wait3A_41, %dma_wait3A_42] : memref<5760x1024xf32, #tpu.memory_space<hbm>> -> memref<5760x1024xf32, #tpu.memory_space<hbm>>
    tpu.wait_indirect_dma semaphore(%arg10 : memref<!tpu.dma_semaphore, #tpu.memory_space<semaphore_mem>>) src(%dma_wait3A_43 : memref<5760x1024xf32, #tpu.memory_space<hbm>>) dst(%arg8 : memref<32x1024xf32, #tpu.memory_space<vmem>>)
    %dma_wait3A_44 = arith.constant 32 : i32
    %dma_wait3A_45 = tpu.memref_slice %arg7[%dma_wait3A_44] : memref<64xi32, #tpu.memory_space<vmem>> -> memref<32xi32, #tpu.memory_space<vmem>>
    %dma_wait3A_46 = arith.constant 0 : i32
    %dma_wait3A_47 = arith.constant 0 : i32
    %dma_wait3A_48 = tpu.memref_slice %arg4[%dma_wait3A_46, %dma_wait3A_47] : memref<5760x1024xf32, #tpu.memory_space<hbm>> -> memref<5760x1024xf32, #tpu.memory_space<hbm>>
    tpu.wait_indirect_dma semaphore(%arg11 : memref<!tpu.dma_semaphore, #tpu.memory_space<semaphore_mem>>) src(%dma_wait3A_48 : memref<5760x1024xf32, #tpu.memory_space<hbm>>) dst(%arg9 : memref<32x1024xf32, #tpu.memory_space<vmem>>)
    %scan3A_49 = arith.constant 0 : i32
    %scan3A_50 = arith.constant 0 : i32
    %scan3A_51 = arith.constant 32 : i32
    %scan3A_52 = arith.addi %scan3A_50, %scan3A_51 : i32
    %scan3A_53 = arith.constant 1 : i32
    %scan3A_54 = scf.for %scan3A_58 = %scan3A_50 to %scan3A_52 step %scan3A_53 iter_args(%scan3A_59 = %scan3A_49) -> (i32)  : i32 {
      %scan3A_60 = arith.constant 0 : i32
      %scan3A_61 = arith.constant 0 : i32
      %scan3A_62 = arith.constant 64 : i32
      %scan3A_63 = arith.addi %scan3A_61, %scan3A_62 : i32
      %scan3A_64 = arith.constant 1 : i32
      %scan3A_65 = scf.for %scan3A_68 = %scan3A_61 to %scan3A_63 step %scan3A_64 iter_args(%scan3A_69 = %scan3A_60) -> (i32)  : i32 {
        %mul3A_70 = arith.constant 16 : i32
        %mul3A_71 = arith.muli %scan3A_68, %mul3A_70 : i32
        %get3A = arith.index_cast %scan3A_58 : i32 to index
        %get3A_72 = arith.index_cast %mul3A_71 : i32 to index
        %get3A_73 = tpu.vector_load %arg8[%get3A, %get3A_72] {strides = array<i32>} : memref<32x1024xf32, #tpu.memory_space<vmem>>, vector<16xf32>,
        %get3A_74 = arith.index_cast %scan3A_58 : i32 to index
        %get3A_75 = arith.index_cast %mul3A_71 : i32 to index
        %get3A_76 = tpu.vector_load %arg9[%get3A_74, %get3A_75] {strides = array<i32>} : memref<32x1024xf32, #tpu.memory_space<vmem>>, vector<16xf32>,
        %add3A_77 = arith.addf %get3A_73, %get3A_76 : vector<16xf32>
        %swap3A = arith.index_cast %scan3A_58 : i32 to index
        %swap3A_78 = arith.index_cast %mul3A_71 : i32 to index
        %swap3A_79 = tpu.vector_load %arg8[%swap3A, %swap3A_78] {strides = array<i32>} : memref<32x1024xf32, #tpu.memory_space<vmem>>, vector<16xf32>,
        tpu.vector_store %arg8[%swap3A, %swap3A_78], %add3A_77 {strides = array<i32>} : memref<32x1024xf32, #tpu.memory_space<vmem>>, vector<16xf32>,
        %scan3A_80 = arith.constant 0 : i32
        scf.yield %scan3A_80 : i32
      }
      %scan3A_66 = arith.constant 64 : i32
      %scan3A_67 = arith.constant 0 : i32
      scf.yield %scan3A_67 : i32
    }
    %scan3A_55 = arith.constant 32 : i32
    %add3A_56 = arith.constant 32 : i32
    %add3A_57 = arith.addi %mul3A_2, %add3A_56 : i32
    "tpu.region"() ({
      %run_scoped3A = tpu.sem_alloc : memref<!tpu.dma_semaphore, #tpu.memory_space<semaphore_mem>>
      %dma_start3A_58 = arith.constant 0 : i32
      %dma_start3A_59 = tpu.memref_slice %arg5[%add3A_57, %dma_start3A_58] : memref<2048x1024xf32, #tpu.memory_space<hbm>> -> memref<32x1024xf32, #tpu.memory_space<hbm>>
      %dma_start3A_60 = arith.constant 0 : i32
      %dma_start3A_61 = tpu.memref_slice %arg5[%add3A_57, %dma_start3A_60] : memref<2048x1024xf32, #tpu.memory_space<hbm>> -> memref<32x1024xf32, #tpu.memory_space<hbm>>
      tpu.enqueue_dma source(%arg8 : memref<32x1024xf32, #tpu.memory_space<vmem>>) target(%dma_start3A_61 : memref<32x1024xf32, #tpu.memory_space<hbm>>) target_semaphore(%run_scoped3A : memref<!tpu.dma_semaphore, #tpu.memory_space<semaphore_mem>>)
      %dma_wait3A_62 = arith.constant 0 : i32
      %dma_wait3A_63 = tpu.memref_slice %arg5[%add3A_57, %dma_wait3A_62] : memref<2048x1024xf32, #tpu.memory_space<hbm>> -> memref<32x1024xf32, #tpu.memory_space<hbm>>
      %dma_wait3A_64 = arith.constant 0 : i32
      %dma_wait3A_65 = tpu.memref_slice %arg5[%add3A_57, %dma_wait3A_64] : memref<2048x1024xf32, #tpu.memory_space<hbm>> -> memref<32x1024xf32, #tpu.memory_space<hbm>>
      tpu.wait_dma2 semaphore(%run_scoped3A : memref<!tpu.dma_semaphore, #tpu.memory_space<semaphore_mem>>) src(%arg8 : memref<32x1024xf32, #tpu.memory_space<vmem>>) dst(%dma_wait3A_65 : memref<32x1024xf32, #tpu.memory_space<hbm>>)
      tpu.yield
    }) : () -> ()
    return
  }
}

#map = affine_map<(d0, d1) -> (0)>
module attributes {stable_mosaic.version = 14 : i64} {
  func.func @route(%arg0: i32, %arg1: i32, %arg2: memref<2048xi32, #tpu.memory_space<hbm>>, %arg3: memref<2048xi32, #tpu.memory_space<hbm>>, %arg4: memref<2048xi32, #tpu.memory_space<hbm>>, %arg5: memref<2048xi32, #tpu.memory_space<hbm>>, %arg6: memref<2048xf32, #tpu.memory_space<hbm>>, %arg7: memref<2048xf32, #tpu.memory_space<hbm>>, %arg8: memref<128xi32, #tpu.memory_space<hbm>>, %arg9: memref<2048xi32, #tpu.memory_space<hbm>>, %arg10: memref<2048xi32, #tpu.memory_space<hbm>>, %arg11: memref<5760xi32, #tpu.memory_space<hbm>>, %arg12: memref<5760xf32, #tpu.memory_space<hbm>>, %arg13: memref<2048xi32, #tpu.memory_space<vmem>>, %arg14: memref<2048xi32, #tpu.memory_space<vmem>>, %arg15: memref<2048xi32, #tpu.memory_space<vmem>>, %arg16: memref<2048xi32, #tpu.memory_space<vmem>>, %arg17: memref<2048xf32, #tpu.memory_space<vmem>>, %arg18: memref<2048xf32, #tpu.memory_space<vmem>>, %arg19: memref<2048xi32, #tpu.memory_space<vmem>>, %arg20: memref<2048xi32, #tpu.memory_space<vmem>>, %arg21: memref<5760xi32, #tpu.memory_space<vmem>>, %arg22: memref<5760xf32, #tpu.memory_space<vmem>>, %arg23: memref<16xi32, #tpu.memory_space<vmem>>, %arg24: memref<!tpu.dma_semaphore, #tpu.memory_space<semaphore_mem>>) attributes {dimension_semantics = [#tpu.dimension_semantics<core_parallel>, #tpu.dimension_semantics<subcore_parallel>], iteration_bounds = array<i64: 2, 16>, scalar_prefetch = 0 : i64, scratch_operands = 12 : i64, tpu.core_type = #tpu.core_type<sc_vector_subcore>, window_params = [{transform_indices = #map}, {transform_indices = #map}, {transform_indices = #map}, {transform_indices = #map}, {transform_indices = #map}, {transform_indices = #map}, {transform_indices = #map}, {transform_indices = #map}, {transform_indices = #map}, {transform_indices = #map}, {transform_indices = #map}]} {
    %mul3A = arith.constant 2 : i32
    %mul3A_0 = arith.muli %arg1, %mul3A : i32
    %add3A = arith.addi %mul3A_0, %arg0 : i32
    %eq3A = arith.constant 0 : i32
    %eq3A_1 = arith.cmpi eq, %add3A, %eq3A : i32
    %convert_element_type3A = arith.extui %eq3A_1 : i1 to i32
    %cond3A = arith.constant 0 : i32
    %cond3A_2 = arith.cmpi ne, %convert_element_type3A, %cond3A : i32
    scf.if %cond3A_2 {
      "tpu.region"() ({
        %run_scoped3A = tpu.sem_alloc : memref<!tpu.dma_semaphore, #tpu.memory_space<semaphore_mem>>
        tpu.enqueue_dma source(%arg2 : memref<2048xi32, #tpu.memory_space<hbm>>) target(%arg13 : memref<2048xi32, #tpu.memory_space<vmem>>) target_semaphore(%run_scoped3A : memref<!tpu.dma_semaphore, #tpu.memory_space<semaphore_mem>>)
        tpu.wait_dma2 semaphore(%run_scoped3A : memref<!tpu.dma_semaphore, #tpu.memory_space<semaphore_mem>>) src(%arg2 : memref<2048xi32, #tpu.memory_space<hbm>>) dst(%arg13 : memref<2048xi32, #tpu.memory_space<vmem>>)
        tpu.yield
      }) : () -> ()
      "tpu.region"() ({
        %run_scoped3A = tpu.sem_alloc : memref<!tpu.dma_semaphore, #tpu.memory_space<semaphore_mem>>
        tpu.enqueue_dma source(%arg3 : memref<2048xi32, #tpu.memory_space<hbm>>) target(%arg14 : memref<2048xi32, #tpu.memory_space<vmem>>) target_semaphore(%run_scoped3A : memref<!tpu.dma_semaphore, #tpu.memory_space<semaphore_mem>>)
        tpu.wait_dma2 semaphore(%run_scoped3A : memref<!tpu.dma_semaphore, #tpu.memory_space<semaphore_mem>>) src(%arg3 : memref<2048xi32, #tpu.memory_space<hbm>>) dst(%arg14 : memref<2048xi32, #tpu.memory_space<vmem>>)
        tpu.yield
      }) : () -> ()
      "tpu.region"() ({
        %run_scoped3A = tpu.sem_alloc : memref<!tpu.dma_semaphore, #tpu.memory_space<semaphore_mem>>
        tpu.enqueue_dma source(%arg4 : memref<2048xi32, #tpu.memory_space<hbm>>) target(%arg15 : memref<2048xi32, #tpu.memory_space<vmem>>) target_semaphore(%run_scoped3A : memref<!tpu.dma_semaphore, #tpu.memory_space<semaphore_mem>>)
        tpu.wait_dma2 semaphore(%run_scoped3A : memref<!tpu.dma_semaphore, #tpu.memory_space<semaphore_mem>>) src(%arg4 : memref<2048xi32, #tpu.memory_space<hbm>>) dst(%arg15 : memref<2048xi32, #tpu.memory_space<vmem>>)
        tpu.yield
      }) : () -> ()
      "tpu.region"() ({
        %run_scoped3A = tpu.sem_alloc : memref<!tpu.dma_semaphore, #tpu.memory_space<semaphore_mem>>
        tpu.enqueue_dma source(%arg5 : memref<2048xi32, #tpu.memory_space<hbm>>) target(%arg16 : memref<2048xi32, #tpu.memory_space<vmem>>) target_semaphore(%run_scoped3A : memref<!tpu.dma_semaphore, #tpu.memory_space<semaphore_mem>>)
        tpu.wait_dma2 semaphore(%run_scoped3A : memref<!tpu.dma_semaphore, #tpu.memory_space<semaphore_mem>>) src(%arg5 : memref<2048xi32, #tpu.memory_space<hbm>>) dst(%arg16 : memref<2048xi32, #tpu.memory_space<vmem>>)
        tpu.yield
      }) : () -> ()
      "tpu.region"() ({
        %run_scoped3A = tpu.sem_alloc : memref<!tpu.dma_semaphore, #tpu.memory_space<semaphore_mem>>
        tpu.enqueue_dma source(%arg6 : memref<2048xf32, #tpu.memory_space<hbm>>) target(%arg17 : memref<2048xf32, #tpu.memory_space<vmem>>) target_semaphore(%run_scoped3A : memref<!tpu.dma_semaphore, #tpu.memory_space<semaphore_mem>>)
        tpu.wait_dma2 semaphore(%run_scoped3A : memref<!tpu.dma_semaphore, #tpu.memory_space<semaphore_mem>>) src(%arg6 : memref<2048xf32, #tpu.memory_space<hbm>>) dst(%arg17 : memref<2048xf32, #tpu.memory_space<vmem>>)
        tpu.yield
      }) : () -> ()
      "tpu.region"() ({
        %run_scoped3A = tpu.sem_alloc : memref<!tpu.dma_semaphore, #tpu.memory_space<semaphore_mem>>
        tpu.enqueue_dma source(%arg7 : memref<2048xf32, #tpu.memory_space<hbm>>) target(%arg18 : memref<2048xf32, #tpu.memory_space<vmem>>) target_semaphore(%run_scoped3A : memref<!tpu.dma_semaphore, #tpu.memory_space<semaphore_mem>>)
        tpu.wait_dma2 semaphore(%run_scoped3A : memref<!tpu.dma_semaphore, #tpu.memory_space<semaphore_mem>>) src(%arg7 : memref<2048xf32, #tpu.memory_space<hbm>>) dst(%arg18 : memref<2048xf32, #tpu.memory_space<vmem>>)
        tpu.yield
      }) : () -> ()
      "tpu.region"() ({
        %run_scoped3A = tpu.sem_alloc : memref<!tpu.dma_semaphore, #tpu.memory_space<semaphore_mem>>
        %dma_start3A = arith.constant 0 : i32
        %dma_start3A_23 = tpu.memref_slice %arg8[%dma_start3A] : memref<128xi32, #tpu.memory_space<hbm>> -> memref<16xi32, #tpu.memory_space<hbm>>
        %dma_start3A_24 = arith.constant 0 : i32
        %dma_start3A_25 = tpu.memref_slice %arg8[%dma_start3A_24] : memref<128xi32, #tpu.memory_space<hbm>> -> memref<16xi32, #tpu.memory_space<hbm>>
        tpu.enqueue_dma source(%dma_start3A_25 : memref<16xi32, #tpu.memory_space<hbm>>) target(%arg23 : memref<16xi32, #tpu.memory_space<vmem>>) target_semaphore(%run_scoped3A : memref<!tpu.dma_semaphore, #tpu.memory_space<semaphore_mem>>)
        %dma_wait3A = arith.constant 0 : i32
        %dma_wait3A_26 = tpu.memref_slice %arg8[%dma_wait3A] : memref<128xi32, #tpu.memory_space<hbm>> -> memref<16xi32, #tpu.memory_space<hbm>>
        %dma_wait3A_27 = arith.constant 0 : i32
        %dma_wait3A_28 = tpu.memref_slice %arg8[%dma_wait3A_27] : memref<128xi32, #tpu.memory_space<hbm>> -> memref<16xi32, #tpu.memory_space<hbm>>
        tpu.wait_dma2 semaphore(%run_scoped3A : memref<!tpu.dma_semaphore, #tpu.memory_space<semaphore_mem>>) src(%dma_wait3A_28 : memref<16xi32, #tpu.memory_space<hbm>>) dst(%arg23 : memref<16xi32, #tpu.memory_space<vmem>>)
        tpu.yield
      }) : () -> ()
      %scan3A = arith.constant 0 : i32
      %scan3A_3 = arith.constant 0 : i32
      %scan3A_4 = arith.constant 360 : i32
      %scan3A_5 = arith.addi %scan3A_3, %scan3A_4 : i32
      %scan3A_6 = arith.constant 1 : i32
      %scan3A_7 = scf.for %scan3A_23 = %scan3A_3 to %scan3A_5 step %scan3A_6 iter_args(%scan3A_24 = %scan3A) -> (i32)  : i32 {
        %mul3A_25 = arith.constant 16 : i32
        %mul3A_26 = arith.muli %scan3A_23, %mul3A_25 : i32
        %broadcast_in_dim3A = arith.constant 0 : i32
        %broadcast_in_dim3A_27 = vector.broadcast %broadcast_in_dim3A : i32 to vector<16xi32>
        %swap3A = arith.index_cast %mul3A_26 : i32 to index
        %swap3A_28 = tpu.vector_load %arg21[%swap3A] {strides = array<i32>} : memref<5760xi32, #tpu.memory_space<vmem>>, vector<16xi32>,
        tpu.vector_store %arg21[%swap3A], %broadcast_in_dim3A_27 {strides = array<i32>} : memref<5760xi32, #tpu.memory_space<vmem>>, vector<16xi32>,
        %broadcast_in_dim3A_29 = arith.constant 0.000000e+00 : f32
        %broadcast_in_dim3A_30 = vector.broadcast %broadcast_in_dim3A_29 : f32 to vector<16xf32>
        %swap3A_31 = arith.index_cast %mul3A_26 : i32 to index
        %swap3A_32 = tpu.vector_load %arg22[%swap3A_31] {strides = array<i32>} : memref<5760xf32, #tpu.memory_space<vmem>>, vector<16xf32>,
        tpu.vector_store %arg22[%swap3A_31], %broadcast_in_dim3A_30 {strides = array<i32>} : memref<5760xf32, #tpu.memory_space<vmem>>, vector<16xf32>,
        %scan3A_33 = arith.constant 0 : i32
        scf.yield %scan3A_33 : i32
      }
      %scan3A_8 = arith.constant 360 : i32
      %iota3A = tpu.iota {dimensions = array<i32: 0>} : vector<16xi32>
      %scan3A_9 = arith.constant 0 : i32
      %scan3A_10 = arith.constant 0 : i32
      %scan3A_11 = arith.constant 128 : i32
      %scan3A_12 = arith.addi %scan3A_10, %scan3A_11 : i32
      %scan3A_13 = arith.constant 1 : i32
      %scan3A_14 = scf.for %scan3A_23 = %scan3A_10 to %scan3A_12 step %scan3A_13 iter_args(%scan3A_24 = %scan3A_9) -> (i32)  : i32 {
        %mul3A_25 = arith.constant 16 : i32
        %mul3A_26 = arith.muli %scan3A_23, %mul3A_25 : i32
        %get3A = arith.index_cast %mul3A_26 : i32 to index
        %get3A_27 = tpu.vector_load %arg13[%get3A] {strides = array<i32>} : memref<2048xi32, #tpu.memory_space<vmem>>, vector<16xi32>,
        %gather3A = tpu.vector_load_idx %arg23[%get3A_27] : memref<16xi32, #tpu.memory_space<vmem>>[vector<16xi32>], vector<16xi32>,
        %get3A_28 = arith.index_cast %mul3A_26 : i32 to index
        %get3A_29 = tpu.vector_load %arg15[%get3A_28] {strides = array<i32>} : memref<2048xi32, #tpu.memory_space<vmem>>, vector<16xi32>,
        %add3A_30 = arith.addi %gather3A, %get3A_29 : vector<16xi32>
        %swap3A = arith.index_cast %mul3A_26 : i32 to index
        %swap3A_31 = tpu.vector_load %arg19[%swap3A] {strides = array<i32>} : memref<2048xi32, #tpu.memory_space<vmem>>, vector<16xi32>,
        tpu.vector_store %arg19[%swap3A], %add3A_30 {strides = array<i32>} : memref<2048xi32, #tpu.memory_space<vmem>>, vector<16xi32>,
        %mul3A_32 = arith.constant 16 : i32
        %mul3A_33 = arith.muli %scan3A_23, %mul3A_32 : i32
        %add3A_34 = vector.broadcast %mul3A_33 : i32 to vector<16xi32>
        %add3A_35 = arith.addi %iota3A, %add3A_34 : vector<16xi32>
        tpu.vector_store_idx %arg21[%add3A_30], %add3A_35 : memref<5760xi32, #tpu.memory_space<vmem>>[vector<16xi32>], vector<16xi32>,
        %get3A_36 = arith.index_cast %mul3A_26 : i32 to index
        %get3A_37 = tpu.vector_load %arg17[%get3A_36] {strides = array<i32>} : memref<2048xf32, #tpu.memory_space<vmem>>, vector<16xf32>,
        tpu.vector_store_idx %arg22[%add3A_30], %get3A_37 : memref<5760xf32, #tpu.memory_space<vmem>>[vector<16xi32>], vector<16xf32>,
        %scan3A_38 = arith.constant 0 : i32
        scf.yield %scan3A_38 : i32
      }
      %scan3A_15 = arith.constant 128 : i32
      %scan3A_16 = arith.constant 0 : i32
      %scan3A_17 = arith.constant 0 : i32
      %scan3A_18 = arith.constant 128 : i32
      %scan3A_19 = arith.addi %scan3A_17, %scan3A_18 : i32
      %scan3A_20 = arith.constant 1 : i32
      %scan3A_21 = scf.for %scan3A_23 = %scan3A_17 to %scan3A_19 step %scan3A_20 iter_args(%scan3A_24 = %scan3A_16) -> (i32)  : i32 {
        %mul3A_25 = arith.constant 16 : i32
        %mul3A_26 = arith.muli %scan3A_23, %mul3A_25 : i32
        %get3A = arith.index_cast %mul3A_26 : i32 to index
        %get3A_27 = tpu.vector_load %arg14[%get3A] {strides = array<i32>} : memref<2048xi32, #tpu.memory_space<vmem>>, vector<16xi32>,
        %gather3A = tpu.vector_load_idx %arg23[%get3A_27] : memref<16xi32, #tpu.memory_space<vmem>>[vector<16xi32>], vector<16xi32>,
        %get3A_28 = arith.index_cast %mul3A_26 : i32 to index
        %get3A_29 = tpu.vector_load %arg16[%get3A_28] {strides = array<i32>} : memref<2048xi32, #tpu.memory_space<vmem>>, vector<16xi32>,
        %add3A_30 = arith.addi %gather3A, %get3A_29 : vector<16xi32>
        %swap3A = arith.index_cast %mul3A_26 : i32 to index
        %swap3A_31 = tpu.vector_load %arg20[%swap3A] {strides = array<i32>} : memref<2048xi32, #tpu.memory_space<vmem>>, vector<16xi32>,
        tpu.vector_store %arg20[%swap3A], %add3A_30 {strides = array<i32>} : memref<2048xi32, #tpu.memory_space<vmem>>, vector<16xi32>,
        %mul3A_32 = arith.constant 16 : i32
        %mul3A_33 = arith.muli %scan3A_23, %mul3A_32 : i32
        %add3A_34 = vector.broadcast %mul3A_33 : i32 to vector<16xi32>
        %add3A_35 = arith.addi %iota3A, %add3A_34 : vector<16xi32>
        tpu.vector_store_idx %arg21[%add3A_30], %add3A_35 : memref<5760xi32, #tpu.memory_space<vmem>>[vector<16xi32>], vector<16xi32>,
        %get3A_36 = arith.index_cast %mul3A_26 : i32 to index
        %get3A_37 = tpu.vector_load %arg18[%get3A_36] {strides = array<i32>} : memref<2048xf32, #tpu.memory_space<vmem>>, vector<16xf32>,
        tpu.vector_store_idx %arg22[%add3A_30], %get3A_37 : memref<5760xf32, #tpu.memory_space<vmem>>[vector<16xi32>], vector<16xf32>,
        %scan3A_38 = arith.constant 0 : i32
        scf.yield %scan3A_38 : i32
      }
      %scan3A_22 = arith.constant 128 : i32
      "tpu.region"() ({
        %run_scoped3A = tpu.sem_alloc : memref<!tpu.dma_semaphore, #tpu.memory_space<semaphore_mem>>
        tpu.enqueue_dma source(%arg19 : memref<2048xi32, #tpu.memory_space<vmem>>) target(%arg9 : memref<2048xi32, #tpu.memory_space<hbm>>) target_semaphore(%run_scoped3A : memref<!tpu.dma_semaphore, #tpu.memory_space<semaphore_mem>>)
        tpu.wait_dma2 semaphore(%run_scoped3A : memref<!tpu.dma_semaphore, #tpu.memory_space<semaphore_mem>>) src(%arg19 : memref<2048xi32, #tpu.memory_space<vmem>>) dst(%arg9 : memref<2048xi32, #tpu.memory_space<hbm>>)
        tpu.yield
      }) : () -> ()
      "tpu.region"() ({
        %run_scoped3A = tpu.sem_alloc : memref<!tpu.dma_semaphore, #tpu.memory_space<semaphore_mem>>
        tpu.enqueue_dma source(%arg20 : memref<2048xi32, #tpu.memory_space<vmem>>) target(%arg10 : memref<2048xi32, #tpu.memory_space<hbm>>) target_semaphore(%run_scoped3A : memref<!tpu.dma_semaphore, #tpu.memory_space<semaphore_mem>>)
        tpu.wait_dma2 semaphore(%run_scoped3A : memref<!tpu.dma_semaphore, #tpu.memory_space<semaphore_mem>>) src(%arg20 : memref<2048xi32, #tpu.memory_space<vmem>>) dst(%arg10 : memref<2048xi32, #tpu.memory_space<hbm>>)
        tpu.yield
      }) : () -> ()
      "tpu.region"() ({
        %run_scoped3A = tpu.sem_alloc : memref<!tpu.dma_semaphore, #tpu.memory_space<semaphore_mem>>
        tpu.enqueue_dma source(%arg21 : memref<5760xi32, #tpu.memory_space<vmem>>) target(%arg11 : memref<5760xi32, #tpu.memory_space<hbm>>) target_semaphore(%run_scoped3A : memref<!tpu.dma_semaphore, #tpu.memory_space<semaphore_mem>>)
        tpu.wait_dma2 semaphore(%run_scoped3A : memref<!tpu.dma_semaphore, #tpu.memory_space<semaphore_mem>>) src(%arg21 : memref<5760xi32, #tpu.memory_space<vmem>>) dst(%arg11 : memref<5760xi32, #tpu.memory_space<hbm>>)
        tpu.yield
      }) : () -> ()
      "tpu.region"() ({
        %run_scoped3A = tpu.sem_alloc : memref<!tpu.dma_semaphore, #tpu.memory_space<semaphore_mem>>
        tpu.enqueue_dma source(%arg22 : memref<5760xf32, #tpu.memory_space<vmem>>) target(%arg12 : memref<5760xf32, #tpu.memory_space<hbm>>) target_semaphore(%run_scoped3A : memref<!tpu.dma_semaphore, #tpu.memory_space<semaphore_mem>>)
        tpu.wait_dma2 semaphore(%run_scoped3A : memref<!tpu.dma_semaphore, #tpu.memory_space<semaphore_mem>>) src(%arg22 : memref<5760xf32, #tpu.memory_space<vmem>>) dst(%arg12 : memref<5760xf32, #tpu.memory_space<hbm>>)
        tpu.yield
      }) : () -> ()
    } else {
    }
    return
  }
}

module attributes {stable_mosaic.version = 14 : i64} {
  func.func @_ln_router_body(%arg0: i32, %arg1: memref<256x1024xf32, #tpu.memory_space<vmem>>, %arg2: memref<1x1024xf32, #tpu.memory_space<vmem>>, %arg3: memref<1x1024xf32, #tpu.memory_space<vmem>>, %arg4: memref<1024x128xf32, #tpu.memory_space<vmem>>, %arg5: memref<256x1024xbf16, #tpu.memory_space<vmem>>, %arg6: memref<256x1xi32, #tpu.memory_space<vmem>>, %arg7: memref<256x1xi32, #tpu.memory_space<vmem>>, %arg8: memref<256x1xi32, #tpu.memory_space<vmem>>, %arg9: memref<256x1xi32, #tpu.memory_space<vmem>>, %arg10: memref<256x1xf32, #tpu.memory_space<vmem>>, %arg11: memref<256x1xf32, #tpu.memory_space<vmem>>, %arg12: memref<1x128xi32, #tpu.memory_space<vmem>>, %arg13: memref<1x128xi32, #tpu.memory_space<vmem>>, %arg14: memref<32x1xi32, #tpu.memory_space<vmem>>, %arg15: memref<32x1xi32, #tpu.memory_space<vmem>>, %arg16: memref<32x1xi32, #tpu.memory_space<vmem>>, %arg17: memref<32x1xi32, #tpu.memory_space<vmem>>, %arg18: memref<1x128xf32, #tpu.memory_space<vmem>>) attributes {dimension_semantics = [#tpu.dimension_semantics<arbitrary>], iteration_bounds = array<i64: 8>, scalar_prefetch = 0 : i64, scratch_operands = 1 : i64, tpu.core_type = #tpu.core_type<tc>, window_params = [{transform_indices = @transform_0, window_bounds = array<i64: 256, 1024>}, {pipeline_mode = #tpu.pipeline_mode<synchronous>, transform_indices = @transform_1, window_bounds = array<i64: 1, 1024>}, {pipeline_mode = #tpu.pipeline_mode<synchronous>, transform_indices = @transform_2, window_bounds = array<i64: 1, 1024>}, {pipeline_mode = #tpu.pipeline_mode<synchronous>, transform_indices = @transform_3, window_bounds = array<i64: 1024, 128>}, {transform_indices = @transform_4, window_bounds = array<i64: 256, 1024>}, {transform_indices = @transform_5, window_bounds = array<i64: 256, 1>}, {transform_indices = @transform_6, window_bounds = array<i64: 256, 1>}, {transform_indices = @transform_7, window_bounds = array<i64: 256, 1>}, {transform_indices = @transform_8, window_bounds = array<i64: 256, 1>}, {transform_indices = @transform_9, window_bounds = array<i64: 256, 1>}, {transform_indices = @transform_10, window_bounds = array<i64: 256, 1>}, {pipeline_mode = #tpu.pipeline_mode<synchronous>, transform_indices = @transform_11, window_bounds = array<i64: 1, 128>}, {pipeline_mode = #tpu.pipeline_mode<synchronous>, transform_indices = @transform_12, window_bounds = array<i64: 1, 128>}, {pipeline_mode = #tpu.pipeline_mode<synchronous>, transform_indices = @transform_13, window_bounds = array<i64: 32, 1>}, {pipeline_mode = #tpu.pipeline_mode<synchronous>, transform_indices = @transform_14, window_bounds = array<i64: 32, 1>}, {pipeline_mode = #tpu.pipeline_mode<synchronous>, transform_indices = @transform_15, window_bounds = array<i64: 32, 1>}, {pipeline_mode = #tpu.pipeline_mode<synchronous>, transform_indices = @transform_16, window_bounds = array<i64: 32, 1>}]} {
    %eq3A = arith.constant 0 : i32
    %eq3A_0 = arith.cmpi eq, %arg0, %eq3A : i32
    %convert_element_type3A = arith.extui %eq3A_0 : i1 to i32
    %cond3A = arith.constant 0 : i32
    %cond3A_1 = arith.cmpi ne, %convert_element_type3A, %cond3A : i32
    scf.if %cond3A_1 {
      %broadcast_in_dim3A_238 = arith.constant 0.000000e+00 : f32
      %broadcast_in_dim3A_239 = vector.broadcast %broadcast_in_dim3A_238 : f32 to vector<1x128xf32>
      %swap3A_240 = arith.constant 0 : index
      %swap3A_241 = arith.constant 0 : index
      %swap3A_242 = vector.load %arg18[%swap3A_240, %swap3A_241] : memref<1x128xf32, #tpu.memory_space<vmem>>, vector<1x128xf32>
      tpu.vector_store %arg18[%swap3A_240, %swap3A_241], %broadcast_in_dim3A_239 {strides = array<i32>} : memref<1x128xf32, #tpu.memory_space<vmem>>, vector<1x128xf32>,
    } else {
    }
    %get3A = arith.constant 0 : index
    %get3A_2 = arith.constant 0 : index
    %get3A_3 = vector.load %arg1[%get3A, %get3A_2] : memref<256x1024xf32, #tpu.memory_space<vmem>>, vector<256x1024xf32>
    %reduce_sum3A = arith.constant dense<0.000000e+00> : vector<256xf32>
    %reduce_sum3A_4 = vector.multi_reduction <add>, %get3A_3, %reduce_sum3A [1] : vector<256x1024xf32> to vector<256xf32>
    %broadcast_in_dim3A = vector.shape_cast %reduce_sum3A_4 : vector<256xf32> to vector<256x1xf32>
    %div3A = arith.constant 1.024000e+03 : f32
    %div3A_5 = vector.broadcast %div3A : f32 to vector<256x1xf32>
    %div3A_6 = arith.divf %broadcast_in_dim3A, %div3A_5 : vector<256x1xf32>
    %sub3A = vector.broadcast %div3A_6 : vector<256x1xf32> to vector<256x1024xf32>
    %sub3A_7 = arith.subf %get3A_3, %sub3A : vector<256x1024xf32>
    %integer_pow3A = arith.mulf %sub3A_7, %sub3A_7 : vector<256x1024xf32>
    %reduce_sum3A_8 = arith.constant dense<0.000000e+00> : vector<256xf32>
    %reduce_sum3A_9 = vector.multi_reduction <add>, %integer_pow3A, %reduce_sum3A_8 [1] : vector<256x1024xf32> to vector<256xf32>
    %broadcast_in_dim3A_10 = vector.shape_cast %reduce_sum3A_9 : vector<256xf32> to vector<256x1xf32>
    %div3A_11 = arith.constant 1.024000e+03 : f32
    %div3A_12 = vector.broadcast %div3A_11 : f32 to vector<256x1xf32>
    %div3A_13 = arith.divf %broadcast_in_dim3A_10, %div3A_12 : vector<256x1xf32>
    %sub3A_14 = vector.broadcast %div3A_6 : vector<256x1xf32> to vector<256x1024xf32>
    %sub3A_15 = arith.subf %get3A_3, %sub3A_14 : vector<256x1024xf32>
    %add3A = arith.constant 9.99999974E-6 : f32
    %add3A_16 = vector.broadcast %add3A : f32 to vector<256x1xf32>
    %add3A_17 = arith.addf %div3A_13, %add3A_16 : vector<256x1xf32>
    %rsqrt3A = math.rsqrt %add3A_17 : vector<256x1xf32>
    %mul3A = vector.broadcast %rsqrt3A : vector<256x1xf32> to vector<256x1024xf32>
    %mul3A_18 = arith.mulf %sub3A_15, %mul3A : vector<256x1024xf32>
    %get3A_19 = arith.constant 0 : index
    %get3A_20 = arith.constant 0 : index
    %get3A_21 = vector.load %arg2[%get3A_19, %get3A_20] : memref<1x1024xf32, #tpu.memory_space<vmem>>, vector<1x1024xf32>
    %mul3A_22 = vector.broadcast %get3A_21 : vector<1x1024xf32> to vector<256x1024xf32>
    %mul3A_23 = arith.mulf %mul3A_18, %mul3A_22 : vector<256x1024xf32>
    %get3A_24 = arith.constant 0 : index
    %get3A_25 = arith.constant 0 : index
    %get3A_26 = vector.load %arg3[%get3A_24, %get3A_25] : memref<1x1024xf32, #tpu.memory_space<vmem>>, vector<1x1024xf32>
    %add3A_27 = vector.broadcast %get3A_26 : vector<1x1024xf32> to vector<256x1024xf32>
    %add3A_28 = arith.addf %mul3A_23, %add3A_27 : vector<256x1024xf32>
    %convert_element_type3A_29 = arith.truncf %add3A_28 : vector<256x1024xf32> to vector<256x1024xbf16>
    %swap3A = arith.constant 0 : index
    %swap3A_30 = arith.constant 0 : index
    %swap3A_31 = vector.load %arg5[%swap3A, %swap3A_30] : memref<256x1024xbf16, #tpu.memory_space<vmem>>, vector<256x1024xbf16>
    tpu.vector_store %arg5[%swap3A, %swap3A_30], %convert_element_type3A_29 {strides = array<i32>} : memref<256x1024xbf16, #tpu.memory_space<vmem>>, vector<256x1024xbf16>,
    %get3A_32 = arith.constant 0 : index
    %get3A_33 = arith.constant 0 : index
    %get3A_34 = vector.load %arg4[%get3A_32, %get3A_33] : memref<1024x128xf32, #tpu.memory_space<vmem>>, vector<1024x128xf32>
    %dot_general3A = arith.constant dense<0.000000e+00> : vector<256x128xf32>
    %dot_general3A_35 = tpu.matmul %add3A_28, %get3A_34, %dot_general3A {dimension_numbers = #tpu.dot_dimension_numbers<[1], [0], [0], [1], [0, 0, 1, 1], [], []>, transpose_lhs_hint = false} : vector<256x1024xf32>, vector<1024x128xf32>, vector<256x128xf32> -> vector<256x128xf32>
    %iota3A = tpu.iota {dimensions = array<i32: 1>} : vector<256x128xi32>
    %lt3A = arith.constant 8 : i32
    %lt3A_36 = vector.broadcast %lt3A : i32 to vector<256x128xi32>
    %lt3A_37 = arith.cmpi slt, %iota3A, %lt3A_36 : vector<256x128xi32>
    %jit3A = arith.constant -1.000000e+30 : f32
    %broadcast_in_dim3A_38 = vector.broadcast %jit3A : f32 to vector<256x128xf32>
    %select_n3A = arith.select %lt3A_37, %dot_general3A_35, %broadcast_in_dim3A_38 : vector<256x128xi1>, vector<256x128xf32>
    %reduce_max3A = arith.constant dense<0xFF800000> : vector<256xf32>
    %reduce_max3A_39 = vector.multi_reduction <maximumf>, %select_n3A, %reduce_max3A [1] : vector<256x128xf32> to vector<256xf32>
    %broadcast_in_dim3A_40 = vector.shape_cast %reduce_max3A_39 : vector<256xf32> to vector<256x1xf32>
    %sub3A_41 = vector.broadcast %broadcast_in_dim3A_40 : vector<256x1xf32> to vector<256x128xf32>
    %sub3A_42 = arith.subf %select_n3A, %sub3A_41 : vector<256x128xf32>
    %exp3A = math.exp %sub3A_42 : vector<256x128xf32>
    %jit3A_43 = arith.constant 0.000000e+00 : f32
    %broadcast_in_dim3A_44 = vector.broadcast %jit3A_43 : f32 to vector<256x128xf32>
    %select_n3A_45 = arith.select %lt3A_37, %exp3A, %broadcast_in_dim3A_44 : vector<256x128xi1>, vector<256x128xf32>
    %reduce_sum3A_46 = arith.constant dense<0.000000e+00> : vector<256xf32>
    %reduce_sum3A_47 = vector.multi_reduction <add>, %select_n3A_45, %reduce_sum3A_46 [1] : vector<256x128xf32> to vector<256xf32>
    %broadcast_in_dim3A_48 = vector.shape_cast %reduce_sum3A_47 : vector<256xf32> to vector<256x1xf32>
    %div3A_49 = vector.broadcast %broadcast_in_dim3A_48 : vector<256x1xf32> to vector<256x128xf32>
    %div3A_50 = arith.divf %select_n3A_45, %div3A_49 : vector<256x128xf32>
    %jit3A_51 = arith.constant -1.000000e+30 : f32
    %broadcast_in_dim3A_52 = vector.broadcast %jit3A_51 : f32 to vector<256x128xf32>
    %select_n3A_53 = arith.select %lt3A_37, %div3A_50, %broadcast_in_dim3A_52 : vector<256x128xi1>, vector<256x128xf32>
    %reduce_max3A_54 = arith.constant dense<0xFF800000> : vector<256xf32>
    %reduce_max3A_55 = vector.multi_reduction <maximumf>, %select_n3A_53, %reduce_max3A_54 [1] : vector<256x128xf32> to vector<256xf32>
    %broadcast_in_dim3A_56 = vector.shape_cast %reduce_max3A_55 : vector<256xf32> to vector<256x1xf32>
    %eq3A_57 = vector.broadcast %broadcast_in_dim3A_56 : vector<256x1xf32> to vector<256x128xf32>
    %eq3A_58 = arith.cmpf oeq, %select_n3A_53, %eq3A_57 : vector<256x128xf32>
    %jit3A_59 = arith.constant 128 : i32
    %broadcast_in_dim3A_60 = vector.broadcast %jit3A_59 : i32 to vector<256x128xi32>
    %select_n3A_61 = arith.select %eq3A_58, %iota3A, %broadcast_in_dim3A_60 : vector<256x128xi1>, vector<256x128xi32>
    %reduce_min3A = arith.constant dense<2147483647> : vector<256xi32>
    %reduce_min3A_62 = vector.multi_reduction <minsi>, %select_n3A_61, %reduce_min3A [1] : vector<256x128xi32> to vector<256xi32>
    %broadcast_in_dim3A_63 = vector.shape_cast %reduce_min3A_62 : vector<256xi32> to vector<256x1xi32>
    %eq3A_64 = vector.broadcast %broadcast_in_dim3A_63 : vector<256x1xi32> to vector<256x128xi32>
    %eq3A_65 = arith.cmpi eq, %iota3A, %eq3A_64 : vector<256x128xi32>
    %jit3A_66 = arith.constant -1.000000e+30 : f32
    %broadcast_in_dim3A_67 = vector.broadcast %jit3A_66 : f32 to vector<256x128xf32>
    %select_n3A_68 = arith.select %eq3A_65, %broadcast_in_dim3A_67, %select_n3A_53 : vector<256x128xi1>, vector<256x128xf32>
    %reduce_max3A_69 = arith.constant dense<0xFF800000> : vector<256xf32>
    %reduce_max3A_70 = vector.multi_reduction <maximumf>, %select_n3A_68, %reduce_max3A_69 [1] : vector<256x128xf32> to vector<256xf32>
    %broadcast_in_dim3A_71 = vector.shape_cast %reduce_max3A_70 : vector<256xf32> to vector<256x1xf32>
    %eq3A_72 = vector.broadcast %broadcast_in_dim3A_71 : vector<256x1xf32> to vector<256x128xf32>
    %eq3A_73 = arith.cmpf oeq, %select_n3A_68, %eq3A_72 : vector<256x128xf32>
    %jit3A_74 = arith.constant 128 : i32
    %broadcast_in_dim3A_75 = vector.broadcast %jit3A_74 : i32 to vector<256x128xi32>
    %select_n3A_76 = arith.select %eq3A_73, %iota3A, %broadcast_in_dim3A_75 : vector<256x128xi1>, vector<256x128xi32>
    %reduce_min3A_77 = arith.constant dense<2147483647> : vector<256xi32>
    %reduce_min3A_78 = vector.multi_reduction <minsi>, %select_n3A_76, %reduce_min3A_77 [1] : vector<256x128xi32> to vector<256xi32>
    %broadcast_in_dim3A_79 = vector.shape_cast %reduce_min3A_78 : vector<256xi32> to vector<256x1xi32>
    %swap3A_80 = arith.constant 0 : index
    %swap3A_81 = arith.constant 0 : index
    %swap3A_82 = vector.load %arg6[%swap3A_80, %swap3A_81] : memref<256x1xi32, #tpu.memory_space<vmem>>, vector<256x1xi32>
    tpu.vector_store %arg6[%swap3A_80, %swap3A_81], %broadcast_in_dim3A_63 {strides = array<i32>} : memref<256x1xi32, #tpu.memory_space<vmem>>, vector<256x1xi32>,
    %swap3A_83 = arith.constant 0 : index
    %swap3A_84 = arith.constant 0 : index
    %swap3A_85 = vector.load %arg7[%swap3A_83, %swap3A_84] : memref<256x1xi32, #tpu.memory_space<vmem>>, vector<256x1xi32>
    tpu.vector_store %arg7[%swap3A_83, %swap3A_84], %broadcast_in_dim3A_79 {strides = array<i32>} : memref<256x1xi32, #tpu.memory_space<vmem>>, vector<256x1xi32>,
    %swap3A_86 = arith.constant 0 : index
    %swap3A_87 = arith.constant 0 : index
    %swap3A_88 = vector.load %arg10[%swap3A_86, %swap3A_87] : memref<256x1xf32, #tpu.memory_space<vmem>>, vector<256x1xf32>
    tpu.vector_store %arg10[%swap3A_86, %swap3A_87], %broadcast_in_dim3A_56 {strides = array<i32>} : memref<256x1xf32, #tpu.memory_space<vmem>>, vector<256x1xf32>,
    %swap3A_89 = arith.constant 0 : index
    %swap3A_90 = arith.constant 0 : index
    %swap3A_91 = vector.load %arg11[%swap3A_89, %swap3A_90] : memref<256x1xf32, #tpu.memory_space<vmem>>, vector<256x1xf32>
    tpu.vector_store %arg11[%swap3A_89, %swap3A_90], %broadcast_in_dim3A_71 {strides = array<i32>} : memref<256x1xf32, #tpu.memory_space<vmem>>, vector<256x1xf32>,
    %eq3A_92 = vector.broadcast %broadcast_in_dim3A_63 : vector<256x1xi32> to vector<256x128xi32>
    %eq3A_93 = arith.cmpi eq, %iota3A, %eq3A_92 : vector<256x128xi32>
    %convert_element_type3A_94 = arith.extui %eq3A_93 : vector<256x128xi1> to vector<256x128xi32>
    %convert_element_type3A_95 = arith.sitofp %convert_element_type3A_94 : vector<256x128xi32> to vector<256x128xf32>
    %eq3A_96 = vector.broadcast %broadcast_in_dim3A_79 : vector<256x1xi32> to vector<256x128xi32>
    %eq3A_97 = arith.cmpi eq, %iota3A, %eq3A_96 : vector<256x128xi32>
    %convert_element_type3A_98 = arith.extui %eq3A_97 : vector<256x128xi1> to vector<256x128xi32>
    %convert_element_type3A_99 = arith.sitofp %convert_element_type3A_98 : vector<256x128xi32> to vector<256x128xf32>
    %add3A_100 = arith.addf %convert_element_type3A_95, %convert_element_type3A_99 : vector<256x128xf32>
    %iota3A_101 = tpu.iota {dimensions = array<i32: 0>} : vector<256x256xi32>
    %iota3A_102 = tpu.iota {dimensions = array<i32: 1>} : vector<256x256xi32>
    %gt3A = arith.cmpi sgt, %iota3A_101, %iota3A_102 : vector<256x256xi32>
    %convert_element_type3A_103 = arith.extui %gt3A : vector<256x256xi1> to vector<256x256xi32>
    %convert_element_type3A_104 = arith.sitofp %convert_element_type3A_103 : vector<256x256xi32> to vector<256x256xf32>
    %dot_general3A_105 = arith.constant dense<0.000000e+00> : vector<256x128xf32>
    %dot_general3A_106 = tpu.matmul %convert_element_type3A_104, %add3A_100, %dot_general3A_105 {dimension_numbers = #tpu.dot_dimension_numbers<[1], [0], [0], [1], [0, 0, 1, 1], [], []>, transpose_lhs_hint = false} : vector<256x256xf32>, vector<256x128xf32>, vector<256x128xf32> -> vector<256x128xf32>
    %get3A_107 = arith.constant 0 : index
    %get3A_108 = arith.constant 0 : index
    %get3A_109 = vector.load %arg18[%get3A_107, %get3A_108] : memref<1x128xf32, #tpu.memory_space<vmem>>, vector<1x128xf32>
    %add3A_110 = vector.broadcast %get3A_109 : vector<1x128xf32> to vector<256x128xf32>
    %add3A_111 = arith.addf %dot_general3A_106, %add3A_110 : vector<256x128xf32>
    %mul3A_112 = arith.mulf %add3A_111, %convert_element_type3A_95 : vector<256x128xf32>
    %reduce_sum3A_113 = arith.constant dense<0.000000e+00> : vector<256xf32>
    %reduce_sum3A_114 = vector.multi_reduction <add>, %mul3A_112, %reduce_sum3A_113 [1] : vector<256x128xf32> to vector<256xf32>
    %broadcast_in_dim3A_115 = vector.shape_cast %reduce_sum3A_114 : vector<256xf32> to vector<256x1xf32>
    %add3A_116 = vector.broadcast %get3A_109 : vector<1x128xf32> to vector<256x128xf32>
    %add3A_117 = arith.addf %dot_general3A_106, %add3A_116 : vector<256x128xf32>
    %add3A_118 = arith.addf %add3A_117, %convert_element_type3A_95 : vector<256x128xf32>
    %mul3A_119 = arith.mulf %add3A_118, %convert_element_type3A_99 : vector<256x128xf32>
    %reduce_sum3A_120 = arith.constant dense<0.000000e+00> : vector<256xf32>
    %reduce_sum3A_121 = vector.multi_reduction <add>, %mul3A_119, %reduce_sum3A_120 [1] : vector<256x128xf32> to vector<256xf32>
    %broadcast_in_dim3A_122 = vector.shape_cast %reduce_sum3A_121 : vector<256xf32> to vector<256x1xf32>
    %convert_element_type3A_123 = arith.fptosi %broadcast_in_dim3A_115 : vector<256x1xf32> to vector<256x1xi32>
    %swap3A_124 = arith.constant 0 : index
    %swap3A_125 = arith.constant 0 : index
    %swap3A_126 = vector.load %arg8[%swap3A_124, %swap3A_125] : memref<256x1xi32, #tpu.memory_space<vmem>>, vector<256x1xi32>
    tpu.vector_store %arg8[%swap3A_124, %swap3A_125], %convert_element_type3A_123 {strides = array<i32>} : memref<256x1xi32, #tpu.memory_space<vmem>>, vector<256x1xi32>,
    %convert_element_type3A_127 = arith.fptosi %broadcast_in_dim3A_122 : vector<256x1xf32> to vector<256x1xi32>
    %swap3A_128 = arith.constant 0 : index
    %swap3A_129 = arith.constant 0 : index
    %swap3A_130 = vector.load %arg9[%swap3A_128, %swap3A_129] : memref<256x1xi32, #tpu.memory_space<vmem>>, vector<256x1xi32>
    tpu.vector_store %arg9[%swap3A_128, %swap3A_129], %convert_element_type3A_127 {strides = array<i32>} : memref<256x1xi32, #tpu.memory_space<vmem>>, vector<256x1xi32>,
    %reduce_sum3A_131 = arith.constant dense<0.000000e+00> : vector<128xf32>
    %reduce_sum3A_132 = vector.multi_reduction <add>, %add3A_100, %reduce_sum3A_131 [0] : vector<256x128xf32> to vector<128xf32>
    %broadcast_in_dim3A_133 = vector.shape_cast %reduce_sum3A_132 : vector<128xf32> to vector<1x128xf32>
    %add3A_134 = arith.addf %get3A_109, %broadcast_in_dim3A_133 : vector<1x128xf32>
    %swap3A_135 = arith.constant 0 : index
    %swap3A_136 = arith.constant 0 : index
    %swap3A_137 = vector.load %arg18[%swap3A_135, %swap3A_136] : memref<1x128xf32, #tpu.memory_space<vmem>>, vector<1x128xf32>
    tpu.vector_store %arg18[%swap3A_135, %swap3A_136], %add3A_134 {strides = array<i32>} : memref<1x128xf32, #tpu.memory_space<vmem>>, vector<1x128xf32>,
    %convert_element_type3A_138 = arith.fptosi %add3A_134 : vector<1x128xf32> to vector<1x128xi32>
    %swap3A_139 = arith.constant 0 : index
    %swap3A_140 = arith.constant 0 : index
    %swap3A_141 = vector.load %arg12[%swap3A_139, %swap3A_140] : memref<1x128xi32, #tpu.memory_space<vmem>>, vector<1x128xi32>
    tpu.vector_store %arg12[%swap3A_139, %swap3A_140], %convert_element_type3A_138 {strides = array<i32>} : memref<1x128xi32, #tpu.memory_space<vmem>>, vector<1x128xi32>,
    %add3A_142 = arith.constant 1.910000e+02 : f32
    %add3A_143 = vector.broadcast %add3A_142 : f32 to vector<1x128xf32>
    %add3A_144 = arith.addf %add3A_134, %add3A_143 : vector<1x128xf32>
    %mul3A_145 = arith.constant 0.00520833349 : f32
    %mul3A_146 = vector.broadcast %mul3A_145 : f32 to vector<1x128xf32>
    %mul3A_147 = arith.mulf %add3A_144, %mul3A_146 : vector<1x128xf32>
    %floor3A = math.floor %mul3A_147 : vector<1x128xf32>
    %iota3A_148 = tpu.iota {dimensions = array<i32: 0>} : vector<128x128xi32>
    %iota3A_149 = tpu.iota {dimensions = array<i32: 1>} : vector<128x128xi32>
    %le3A = arith.cmpi sle, %iota3A_148, %iota3A_149 : vector<128x128xi32>
    %convert_element_type3A_150 = arith.extui %le3A : vector<128x128xi1> to vector<128x128xi32>
    %convert_element_type3A_151 = arith.sitofp %convert_element_type3A_150 : vector<128x128xi32> to vector<128x128xf32>
    %dot_general3A_152 = arith.constant dense<0.000000e+00> : vector<1x128xf32>
    %dot_general3A_153 = tpu.matmul %floor3A, %convert_element_type3A_151, %dot_general3A_152 {dimension_numbers = #tpu.dot_dimension_numbers<[1], [0], [0], [1], [0, 0, 1, 1], [], []>, transpose_lhs_hint = false} : vector<1x128xf32>, vector<128x128xf32>, vector<1x128xf32> -> vector<1x128xf32>
    %sub3A_154 = arith.subf %dot_general3A_153, %floor3A : vector<1x128xf32>
    %mul3A_155 = arith.constant 1.920000e+02 : f32
    %mul3A_156 = vector.broadcast %mul3A_155 : f32 to vector<1x128xf32>
    %mul3A_157 = arith.mulf %sub3A_154, %mul3A_156 : vector<1x128xf32>
    %convert_element_type3A_158 = arith.fptosi %mul3A_157 : vector<1x128xf32> to vector<1x128xi32>
    %swap3A_159 = arith.constant 0 : index
    %swap3A_160 = arith.constant 0 : index
    %swap3A_161 = vector.load %arg13[%swap3A_159, %swap3A_160] : memref<1x128xi32, #tpu.memory_space<vmem>>, vector<1x128xi32>
    tpu.vector_store %arg13[%swap3A_159, %swap3A_160], %convert_element_type3A_158 {strides = array<i32>} : memref<1x128xi32, #tpu.memory_space<vmem>>, vector<1x128xi32>,
    %iota3A_162 = tpu.iota {dimensions = array<i32: 1>} : vector<32x128xi32>
    %iota3A_163 = tpu.iota {dimensions = array<i32: 0>} : vector<32x1xi32>
    %convert_element_type3A_164 = arith.sitofp %iota3A_163 : vector<32x1xi32> to vector<32x1xf32>
    %eq3A_165 = arith.constant 7 : i32
    %eq3A_166 = vector.broadcast %eq3A_165 : i32 to vector<32x128xi32>
    %eq3A_167 = arith.cmpi eq, %iota3A_162, %eq3A_166 : vector<32x128xi32>
    %jit3A_168 = arith.constant 0.000000e+00 : f32
    %broadcast_in_dim3A_169 = vector.shape_cast %dot_general3A_153 : vector<1x128xf32> to vector<1x128xf32>
    %broadcast_in_dim3A_170 = vector.broadcast %broadcast_in_dim3A_169 : vector<1x128xf32> to vector<32x128xf32>
    %broadcast_in_dim3A_171 = vector.broadcast %jit3A_168 : f32 to vector<32x128xf32>
    %select_n3A_172 = arith.select %eq3A_167, %broadcast_in_dim3A_170, %broadcast_in_dim3A_171 : vector<32x128xi1>, vector<32x128xf32>
    %reduce_sum3A_173 = arith.constant dense<0.000000e+00> : vector<32xf32>
    %reduce_sum3A_174 = vector.multi_reduction <add>, %select_n3A_172, %reduce_sum3A_173 [1] : vector<32x128xf32> to vector<32xf32>
    %broadcast_in_dim3A_175 = vector.shape_cast %reduce_sum3A_174 : vector<32xf32> to vector<32x1xf32>
    %sub3A_176 = arith.constant 1.000000e+00 : f32
    %sub3A_177 = vector.broadcast %sub3A_176 : f32 to vector<32x1xf32>
    %sub3A_178 = arith.subf %broadcast_in_dim3A_175, %sub3A_177 : vector<32x1xf32>
    %min3A = arith.minimumf %convert_element_type3A_164, %sub3A_178 : vector<32x1xf32>
    %le3A_179 = vector.broadcast %dot_general3A_153 : vector<1x128xf32> to vector<32x128xf32>
    %le3A_180 = vector.broadcast %min3A : vector<32x1xf32> to vector<32x128xf32>
    %le3A_181 = arith.cmpf ole, %le3A_179, %le3A_180 : vector<32x128xf32>
    %lt3A_182 = arith.constant 8 : i32
    %lt3A_183 = vector.broadcast %lt3A_182 : i32 to vector<32x128xi32>
    %lt3A_184 = arith.cmpi slt, %iota3A_162, %lt3A_183 : vector<32x128xi32>
    %and3A = arith.andi %le3A_181, %lt3A_184 : vector<32x128xi1>
    %convert_element_type3A_185 = arith.extui %and3A : vector<32x128xi1> to vector<32x128xi32>
    %convert_element_type3A_186 = arith.sitofp %convert_element_type3A_185 : vector<32x128xi32> to vector<32x128xf32>
    %reduce_sum3A_187 = arith.constant dense<0.000000e+00> : vector<32xf32>
    %reduce_sum3A_188 = vector.multi_reduction <add>, %convert_element_type3A_186, %reduce_sum3A_187 [1] : vector<32x128xf32> to vector<32xf32>
    %broadcast_in_dim3A_189 = vector.shape_cast %reduce_sum3A_188 : vector<32xf32> to vector<32x1xf32>
    %convert_element_type3A_190 = arith.fptosi %broadcast_in_dim3A_189 : vector<32x1xf32> to vector<32x1xi32>
    %eq3A_191 = vector.broadcast %convert_element_type3A_190 : vector<32x1xi32> to vector<32x128xi32>
    %eq3A_192 = arith.cmpi eq, %iota3A_162, %eq3A_191 : vector<32x128xi32>
    %convert_element_type3A_193 = arith.extui %eq3A_192 : vector<32x128xi1> to vector<32x128xi32>
    %convert_element_type3A_194 = arith.sitofp %convert_element_type3A_193 : vector<32x128xi32> to vector<32x128xf32>
    %mul3A_195 = vector.broadcast %add3A_134 : vector<1x128xf32> to vector<32x128xf32>
    %mul3A_196 = arith.mulf %mul3A_195, %convert_element_type3A_194 : vector<32x128xf32>
    %reduce_sum3A_197 = arith.constant dense<0.000000e+00> : vector<32xf32>
    %reduce_sum3A_198 = vector.multi_reduction <add>, %mul3A_196, %reduce_sum3A_197 [1] : vector<32x128xf32> to vector<32xf32>
    %broadcast_in_dim3A_199 = vector.shape_cast %reduce_sum3A_198 : vector<32xf32> to vector<32x1xf32>
    %mul3A_200 = vector.broadcast %sub3A_154 : vector<1x128xf32> to vector<32x128xf32>
    %mul3A_201 = arith.mulf %mul3A_200, %convert_element_type3A_194 : vector<32x128xf32>
    %reduce_sum3A_202 = arith.constant dense<0.000000e+00> : vector<32xf32>
    %reduce_sum3A_203 = vector.multi_reduction <add>, %mul3A_201, %reduce_sum3A_202 [1] : vector<32x128xf32> to vector<32xf32>
    %broadcast_in_dim3A_204 = vector.shape_cast %reduce_sum3A_203 : vector<32xf32> to vector<32x1xf32>
    %sub3A_205 = arith.subf %min3A, %broadcast_in_dim3A_204 : vector<32x1xf32>
    %mul3A_206 = arith.constant 1.920000e+02 : f32
    %mul3A_207 = vector.broadcast %mul3A_206 : f32 to vector<32x1xf32>
    %mul3A_208 = arith.mulf %sub3A_205, %mul3A_207 : vector<32x1xf32>
    %sub3A_209 = arith.subf %broadcast_in_dim3A_199, %mul3A_208 : vector<32x1xf32>
    %jit3A_210 = arith.constant 0.000000e+00 : f32
    %jit3A_211 = arith.constant 1.920000e+02 : f32
    %max3A = vector.broadcast %jit3A_210 : f32 to vector<32x1xf32>
    %max3A_212 = arith.maximumf %max3A, %sub3A_209 : vector<32x1xf32>
    %min3A_213 = vector.broadcast %jit3A_211 : f32 to vector<32x1xf32>
    %min3A_214 = arith.minimumf %min3A_213, %max3A_212 : vector<32x1xf32>
    %lt3A_215 = arith.cmpf olt, %convert_element_type3A_164, %broadcast_in_dim3A_175 : vector<32x1xf32>
    %jit3A_216 = arith.constant 0.000000e+00 : f32
    %broadcast_in_dim3A_217 = vector.broadcast %jit3A_216 : f32 to vector<32x1xf32>
    %select_n3A_218 = arith.select %lt3A_215, %min3A_214, %broadcast_in_dim3A_217 : vector<32x1xi1>, vector<32x1xf32>
    %convert_element_type3A_219 = arith.fptosi %broadcast_in_dim3A_189 : vector<32x1xf32> to vector<32x1xi32>
    %swap3A_220 = arith.constant 0 : index
    %swap3A_221 = arith.constant 0 : index
    %swap3A_222 = vector.load %arg14[%swap3A_220, %swap3A_221] : memref<32x1xi32, #tpu.memory_space<vmem>>, vector<32x1xi32>
    tpu.vector_store %arg14[%swap3A_220, %swap3A_221], %convert_element_type3A_219 {strides = array<i32>} : memref<32x1xi32, #tpu.memory_space<vmem>>, vector<32x1xi32>,
    %convert_element_type3A_223 = arith.fptosi %min3A : vector<32x1xf32> to vector<32x1xi32>
    %swap3A_224 = arith.constant 0 : index
    %swap3A_225 = arith.constant 0 : index
    %swap3A_226 = vector.load %arg15[%swap3A_224, %swap3A_225] : memref<32x1xi32, #tpu.memory_space<vmem>>, vector<32x1xi32>
    tpu.vector_store %arg15[%swap3A_224, %swap3A_225], %convert_element_type3A_223 {strides = array<i32>} : memref<32x1xi32, #tpu.memory_space<vmem>>, vector<32x1xi32>,
    %convert_element_type3A_227 = arith.fptosi %select_n3A_218 : vector<32x1xf32> to vector<32x1xi32>
    %swap3A_228 = arith.constant 0 : index
    %swap3A_229 = arith.constant 0 : index
    %swap3A_230 = vector.load %arg16[%swap3A_228, %swap3A_229] : memref<32x1xi32, #tpu.memory_space<vmem>>, vector<32x1xi32>
    tpu.vector_store %arg16[%swap3A_228, %swap3A_229], %convert_element_type3A_227 {strides = array<i32>} : memref<32x1xi32, #tpu.memory_space<vmem>>, vector<32x1xi32>,
    %eq3A_231 = arith.cmpf oeq, %min3A, %broadcast_in_dim3A_204 : vector<32x1xf32>
    %lt3A_232 = arith.cmpf olt, %convert_element_type3A_164, %broadcast_in_dim3A_175 : vector<32x1xf32>
    %and3A_233 = arith.andi %eq3A_231, %lt3A_232 : vector<32x1xi1>
    %convert_element_type3A_234 = arith.extui %and3A_233 : vector<32x1xi1> to vector<32x1xi32>
    %swap3A_235 = arith.constant 0 : index
    %swap3A_236 = arith.constant 0 : index
    %swap3A_237 = vector.load %arg17[%swap3A_235, %swap3A_236] : memref<32x1xi32, #tpu.memory_space<vmem>>, vector<32x1xi32>
    tpu.vector_store %arg17[%swap3A_235, %swap3A_236], %convert_element_type3A_234 {strides = array<i32>} : memref<32x1xi32, #tpu.memory_space<vmem>>, vector<32x1xi32>,
    return
  }
  func.func @transform_0(%arg0: i32) -> (i32, i32) {
    %c0_i32 = arith.constant 0 : i32
    %c0_i32_0 = arith.constant 0 : i32
    return %arg0, %c0_i32 : i32, i32
  }
  func.func @transform_1(%arg0: i32) -> (i32, i32) {
    %c0_i32 = arith.constant 0 : i32
    %c0_i32_0 = arith.constant 0 : i32
    %c0_i32_1 = arith.constant 0 : i32
    return %c0_i32, %c0_i32_0 : i32, i32
  }
  func.func @transform_2(%arg0: i32) -> (i32, i32) {
    %c0_i32 = arith.constant 0 : i32
    %c0_i32_0 = arith.constant 0 : i32
    %c0_i32_1 = arith.constant 0 : i32
    return %c0_i32, %c0_i32_0 : i32, i32
  }
  func.func @transform_3(%arg0: i32) -> (i32, i32) {
    %c0_i32 = arith.constant 0 : i32
    %c0_i32_0 = arith.constant 0 : i32
    %c0_i32_1 = arith.constant 0 : i32
    return %c0_i32, %c0_i32_0 : i32, i32
  }
  func.func @transform_4(%arg0: i32) -> (i32, i32) {
    %c0_i32 = arith.constant 0 : i32
    %c0_i32_0 = arith.constant 0 : i32
    return %arg0, %c0_i32 : i32, i32
  }
  func.func @transform_5(%arg0: i32) -> (i32, i32) {
    %c0_i32 = arith.constant 0 : i32
    %c0_i32_0 = arith.constant 0 : i32
    return %arg0, %c0_i32 : i32, i32
  }
  func.func @transform_6(%arg0: i32) -> (i32, i32) {
    %c0_i32 = arith.constant 0 : i32
    %c0_i32_0 = arith.constant 0 : i32
    return %arg0, %c0_i32 : i32, i32
  }
  func.func @transform_7(%arg0: i32) -> (i32, i32) {
    %c0_i32 = arith.constant 0 : i32
    %c0_i32_0 = arith.constant 0 : i32
    return %arg0, %c0_i32 : i32, i32
  }
  func.func @transform_8(%arg0: i32) -> (i32, i32) {
    %c0_i32 = arith.constant 0 : i32
    %c0_i32_0 = arith.constant 0 : i32
    return %arg0, %c0_i32 : i32, i32
  }
  func.func @transform_9(%arg0: i32) -> (i32, i32) {
    %c0_i32 = arith.constant 0 : i32
    %c0_i32_0 = arith.constant 0 : i32
    return %arg0, %c0_i32 : i32, i32
  }
  func.func @transform_10(%arg0: i32) -> (i32, i32) {
    %c0_i32 = arith.constant 0 : i32
    %c0_i32_0 = arith.constant 0 : i32
    return %arg0, %c0_i32 : i32, i32
  }
  func.func @transform_11(%arg0: i32) -> (i32, i32) {
    %c0_i32 = arith.constant 0 : i32
    %c0_i32_0 = arith.constant 0 : i32
    %c0_i32_1 = arith.constant 0 : i32
    return %c0_i32, %c0_i32_0 : i32, i32
  }
  func.func @transform_12(%arg0: i32) -> (i32, i32) {
    %c0_i32 = arith.constant 0 : i32
    %c0_i32_0 = arith.constant 0 : i32
    %c0_i32_1 = arith.constant 0 : i32
    return %c0_i32, %c0_i32_0 : i32, i32
  }
  func.func @transform_13(%arg0: i32) -> (i32, i32) {
    %c0_i32 = arith.constant 0 : i32
    %c0_i32_0 = arith.constant 0 : i32
    %c0_i32_1 = arith.constant 0 : i32
    return %c0_i32, %c0_i32_0 : i32, i32
  }
  func.func @transform_14(%arg0: i32) -> (i32, i32) {
    %c0_i32 = arith.constant 0 : i32
    %c0_i32_0 = arith.constant 0 : i32
    %c0_i32_1 = arith.constant 0 : i32
    return %c0_i32, %c0_i32_0 : i32, i32
  }
  func.func @transform_15(%arg0: i32) -> (i32, i32) {
    %c0_i32 = arith.constant 0 : i32
    %c0_i32_0 = arith.constant 0 : i32
    %c0_i32_1 = arith.constant 0 : i32
    return %c0_i32, %c0_i32_0 : i32, i32
  }
  func.func @transform_16(%arg0: i32) -> (i32, i32) {
    %c0_i32 = arith.constant 0 : i32
    %c0_i32_0 = arith.constant 0 : i32
    %c0_i32_1 = arith.constant 0 : i32
    return %c0_i32, %c0_i32_0 : i32, i32
  }
}

module attributes {stable_mosaic.version = 14 : i64} {
  func.func @_moe_sparse_body(%arg0: i32, %arg1: i32, %arg2: memref<32xi32, #tpu.memory_space<smem>>, %arg3: memref<32xi32, #tpu.memory_space<smem>>, %arg4: memref<32xi32, #tpu.memory_space<smem>>, %arg5: memref<32xi32, #tpu.memory_space<smem>>, %arg6: memref<2048x1024xbf16, #tpu.memory_space<vmem>>, %arg7: memref<192x1xi32, #tpu.memory_space<vmem>>, %arg8: memref<192x1xf32, #tpu.memory_space<vmem>>, %arg9: memref<1x1024x1408xf32, #tpu.memory_space<vmem>>, %arg10: memref<1x1024x1408xf32, #tpu.memory_space<vmem>>, %arg11: memref<1x1408x1024xf32, #tpu.memory_space<vmem>>, %arg12: memref<192x1024xf32, #tpu.memory_space<vmem>>, %arg13: memref<1024x2816xbf16, #tpu.memory_space<vmem>>, %arg14: memref<1024x2816xbf16, #tpu.memory_space<vmem>>, %arg15: memref<2816x1024xbf16, #tpu.memory_space<vmem>>) attributes {dimension_semantics = [#tpu.dimension_semantics<arbitrary>, #tpu.dimension_semantics<arbitrary>], iteration_bounds = array<i64: 30, 2>, scalar_prefetch = 4 : i64, scratch_operands = 3 : i64, tpu.core_type = #tpu.core_type<tc>, window_params = [{pipeline_mode = #tpu.pipeline_mode<synchronous>, transform_indices = @transform_0, window_bounds = array<i64: 2048, 1024>}, {transform_indices = @transform_1, window_bounds = array<i64: 192, 1>}, {transform_indices = @transform_2, window_bounds = array<i64: 192, 1>}, {transform_indices = @transform_3, window_bounds = array<i64: 1, 1024, 1408>}, {transform_indices = @transform_4, window_bounds = array<i64: 1, 1024, 1408>}, {transform_indices = @transform_5, window_bounds = array<i64: 1, 1408, 1024>}, {transform_indices = @transform_6, window_bounds = array<i64: 192, 1024>}]} {
    %get3A = arith.index_cast %arg0 : i32 to index
    %get3A_0 = memref.load %arg5[%get3A] : memref<32xi32, #tpu.memory_space<smem>>
    %eq3A = arith.constant 1 : i32
    %eq3A_1 = arith.cmpi eq, %get3A_0, %eq3A : i32
    %convert_element_type3A = arith.extui %eq3A_1 : i1 to i32
    %cond3A = arith.constant 0 : i32
    %cond3A_2 = arith.cmpi ne, %convert_element_type3A, %cond3A : i32
    scf.if %cond3A_2 {
      %mul3A = arith.constant 1408 : i32
      %mul3A_11 = arith.muli %arg1, %mul3A : i32
      %get3A_12 = arith.constant 0 : index
      %get3A_13 = arith.constant 0 : index
      %get3A_14 = arith.constant 0 : index
      %get3A_15 = vector.load %arg9[%get3A_12, %get3A_13, %get3A_14] : memref<1x1024x1408xf32, #tpu.memory_space<vmem>>, vector<1x1024x1408xf32>
      %get3A_16 = vector.shape_cast %get3A_15 : vector<1x1024x1408xf32> to vector<1024x1408xf32>
      %convert_element_type3A_17 = arith.truncf %get3A_16 : vector<1024x1408xf32> to vector<1024x1408xbf16>
      %swap3A = arith.constant 0 : index
      %swap3A_18 = arith.index_cast %mul3A_11 : i32 to index
      %swap3A_19 = vector.load %arg13[%swap3A, %swap3A_18] : memref<1024x2816xbf16, #tpu.memory_space<vmem>>, vector<1024x1408xbf16>
      tpu.vector_store %arg13[%swap3A, %swap3A_18], %convert_element_type3A_17 {strides = array<i32>} : memref<1024x2816xbf16, #tpu.memory_space<vmem>>, vector<1024x1408xbf16>,
      %get3A_20 = arith.constant 0 : index
      %get3A_21 = arith.constant 0 : index
      %get3A_22 = arith.constant 0 : index
      %get3A_23 = vector.load %arg10[%get3A_20, %get3A_21, %get3A_22] : memref<1x1024x1408xf32, #tpu.memory_space<vmem>>, vector<1x1024x1408xf32>
      %get3A_24 = vector.shape_cast %get3A_23 : vector<1x1024x1408xf32> to vector<1024x1408xf32>
      %convert_element_type3A_25 = arith.truncf %get3A_24 : vector<1024x1408xf32> to vector<1024x1408xbf16>
      %swap3A_26 = arith.constant 0 : index
      %swap3A_27 = arith.index_cast %mul3A_11 : i32 to index
      %swap3A_28 = vector.load %arg14[%swap3A_26, %swap3A_27] : memref<1024x2816xbf16, #tpu.memory_space<vmem>>, vector<1024x1408xbf16>
      tpu.vector_store %arg14[%swap3A_26, %swap3A_27], %convert_element_type3A_25 {strides = array<i32>} : memref<1024x2816xbf16, #tpu.memory_space<vmem>>, vector<1024x1408xbf16>,
      %get3A_29 = arith.constant 0 : index
      %get3A_30 = arith.constant 0 : index
      %get3A_31 = arith.constant 0 : index
      %get3A_32 = vector.load %arg11[%get3A_29, %get3A_30, %get3A_31] : memref<1x1408x1024xf32, #tpu.memory_space<vmem>>, vector<1x1408x1024xf32>
      %get3A_33 = vector.shape_cast %get3A_32 : vector<1x1408x1024xf32> to vector<1408x1024xf32>
      %convert_element_type3A_34 = arith.truncf %get3A_33 : vector<1408x1024xf32> to vector<1408x1024xbf16>
      %swap3A_35 = arith.index_cast %mul3A_11 : i32 to index
      %swap3A_36 = arith.constant 0 : index
      %swap3A_37 = vector.load %arg15[%swap3A_35, %swap3A_36] : memref<2816x1024xbf16, #tpu.memory_space<vmem>>, vector<1408x1024xbf16>
      tpu.vector_store %arg15[%swap3A_35, %swap3A_36], %convert_element_type3A_34 {strides = array<i32>} : memref<2816x1024xbf16, #tpu.memory_space<vmem>>, vector<1408x1024xbf16>,
    } else {
    }
    %eq3A_3 = arith.constant 1 : i32
    %eq3A_4 = arith.cmpi eq, %arg1, %eq3A_3 : i32
    %get3A_5 = arith.index_cast %arg0 : i32 to index
    %get3A_6 = memref.load %arg4[%get3A_5] : memref<32xi32, #tpu.memory_space<smem>>
    %gt3A = arith.constant 0 : i32
    %gt3A_7 = arith.cmpi sgt, %get3A_6, %gt3A : i32
    %and3A = arith.andi %eq3A_4, %gt3A_7 : i1
    %convert_element_type3A_8 = arith.extui %and3A : i1 to i32
    %cond3A_9 = arith.constant 0 : i32
    %cond3A_10 = arith.cmpi ne, %convert_element_type3A_8, %cond3A_9 : i32
    scf.if %cond3A_10 {
      %get3A_11 = arith.constant 0 : index
      %get3A_12 = arith.constant 0 : index
      %get3A_13 = vector.load %arg7[%get3A_11, %get3A_12] : memref<192x1xi32, #tpu.memory_space<vmem>>, vector<192x1xi32>
      %iota3A = tpu.iota {dimensions = array<i32: 1>} : vector<192x2048xi32>
      %eq3A_14 = vector.broadcast %get3A_13 : vector<192x1xi32> to vector<192x2048xi32>
      %eq3A_15 = arith.cmpi eq, %iota3A, %eq3A_14 : vector<192x2048xi32>
      %convert_element_type3A_16 = arith.extui %eq3A_15 : vector<192x2048xi1> to vector<192x2048xi32>
      %convert_element_type3A_17 = arith.sitofp %convert_element_type3A_16 : vector<192x2048xi32> to vector<192x2048xf32>
      %convert_element_type3A_18 = arith.truncf %convert_element_type3A_17 : vector<192x2048xf32> to vector<192x2048xbf16>
      %get3A_19 = arith.constant 0 : index
      %get3A_20 = arith.constant 0 : index
      %get3A_21 = vector.load %arg6[%get3A_19, %get3A_20] : memref<2048x1024xbf16, #tpu.memory_space<vmem>>, vector<2048x1024xbf16>
      %dot_general3A = arith.constant dense<0.000000e+00> : vector<192x1024xf32>
      %dot_general3A_22 = tpu.matmul %convert_element_type3A_18, %get3A_21, %dot_general3A {dimension_numbers = #tpu.dot_dimension_numbers<[1], [0], [0], [1], [0, 0, 1, 1], [], []>, transpose_lhs_hint = false} : vector<192x2048xbf16>, vector<2048x1024xbf16>, vector<192x1024xf32> -> vector<192x1024xf32>
      %convert_element_type3A_23 = arith.truncf %dot_general3A_22 : vector<192x1024xf32> to vector<192x1024xbf16>
      %get3A_24 = arith.constant 0 : index
      %get3A_25 = arith.constant 0 : index
      %get3A_26 = vector.load %arg13[%get3A_24, %get3A_25] : memref<1024x2816xbf16, #tpu.memory_space<vmem>>, vector<1024x2816xbf16>
      %dot_general3A_27 = arith.constant dense<0.000000e+00> : vector<192x2816xf32>
      %dot_general3A_28 = tpu.matmul %convert_element_type3A_23, %get3A_26, %dot_general3A_27 {dimension_numbers = #tpu.dot_dimension_numbers<[1], [0], [0], [1], [0, 0, 1, 1], [], []>, transpose_lhs_hint = false} : vector<192x1024xbf16>, vector<1024x2816xbf16>, vector<192x2816xf32> -> vector<192x2816xf32>
      %get3A_29 = arith.constant 0 : index
      %get3A_30 = arith.constant 0 : index
      %get3A_31 = vector.load %arg14[%get3A_29, %get3A_30] : memref<1024x2816xbf16, #tpu.memory_space<vmem>>, vector<1024x2816xbf16>
      %dot_general3A_32 = arith.constant dense<0.000000e+00> : vector<192x2816xf32>
      %dot_general3A_33 = tpu.matmul %convert_element_type3A_23, %get3A_31, %dot_general3A_32 {dimension_numbers = #tpu.dot_dimension_numbers<[1], [0], [0], [1], [0, 0, 1, 1], [], []>, transpose_lhs_hint = false} : vector<192x1024xbf16>, vector<1024x2816xbf16>, vector<192x2816xf32> -> vector<192x2816xf32>
      %logistic3A = arith.negf %dot_general3A_28 : vector<192x2816xf32>
      %logistic3A_34 = math.exp %logistic3A : vector<192x2816xf32>
      %logistic3A_35 = arith.constant 1.000000e+00 : f32
      %logistic3A_36 = vector.broadcast %logistic3A_35 : f32 to vector<192x2816xf32>
      %logistic3A_37 = arith.addf %logistic3A_36, %logistic3A_34 : vector<192x2816xf32>
      %logistic3A_38 = arith.divf %logistic3A_36, %logistic3A_37 : vector<192x2816xf32>
      %mul3A = arith.mulf %dot_general3A_28, %logistic3A_38 : vector<192x2816xf32>
      %mul3A_39 = arith.mulf %mul3A, %dot_general3A_33 : vector<192x2816xf32>
      %convert_element_type3A_40 = arith.truncf %mul3A_39 : vector<192x2816xf32> to vector<192x2816xbf16>
      %get3A_41 = arith.constant 0 : index
      %get3A_42 = arith.constant 0 : index
      %get3A_43 = vector.load %arg15[%get3A_41, %get3A_42] : memref<2816x1024xbf16, #tpu.memory_space<vmem>>, vector<2816x1024xbf16>
      %dot_general3A_44 = arith.constant dense<0.000000e+00> : vector<192x1024xf32>
      %dot_general3A_45 = tpu.matmul %convert_element_type3A_40, %get3A_43, %dot_general3A_44 {dimension_numbers = #tpu.dot_dimension_numbers<[1], [0], [0], [1], [0, 0, 1, 1], [], []>, transpose_lhs_hint = false} : vector<192x2816xbf16>, vector<2816x1024xbf16>, vector<192x1024xf32> -> vector<192x1024xf32>
      %get3A_46 = arith.constant 0 : index
      %get3A_47 = arith.constant 0 : index
      %get3A_48 = vector.load %arg8[%get3A_46, %get3A_47] : memref<192x1xf32, #tpu.memory_space<vmem>>, vector<192x1xf32>
      %mul3A_49 = vector.broadcast %get3A_48 : vector<192x1xf32> to vector<192x1024xf32>
      %mul3A_50 = arith.mulf %dot_general3A_45, %mul3A_49 : vector<192x1024xf32>
      %swap3A = arith.constant 0 : index
      %swap3A_51 = arith.constant 0 : index
      %swap3A_52 = vector.load %arg12[%swap3A, %swap3A_51] : memref<192x1024xf32, #tpu.memory_space<vmem>>, vector<192x1024xf32>
      tpu.vector_store %arg12[%swap3A, %swap3A_51], %mul3A_50 {strides = array<i32>} : memref<192x1024xf32, #tpu.memory_space<vmem>>, vector<192x1024xf32>,
    } else {
    }
    return
  }
  func.func @transform_0(%arg0: i32, %arg1: i32, %arg2: memref<32xi32, #tpu.memory_space<smem>>, %arg3: memref<32xi32, #tpu.memory_space<smem>>, %arg4: memref<32xi32, #tpu.memory_space<smem>>, %arg5: memref<32xi32, #tpu.memory_space<smem>>) -> (i32, i32) {
    %c0_i32 = arith.constant 0 : i32
    %c0_i32_0 = arith.constant 0 : i32
    %c0_i32_1 = arith.constant 0 : i32
    return %c0_i32, %c0_i32_0 : i32, i32
  }
  func.func @transform_1(%arg0: i32, %arg1: i32, %arg2: memref<32xi32, #tpu.memory_space<smem>>, %arg3: memref<32xi32, #tpu.memory_space<smem>>, %arg4: memref<32xi32, #tpu.memory_space<smem>>, %arg5: memref<32xi32, #tpu.memory_space<smem>>) -> (i32, i32) {
    %get3A = arith.index_cast %arg0 : i32 to index
    %get3A_0 = memref.load %arg3[%get3A] : memref<32xi32, #tpu.memory_space<smem>>
    %c0_i32 = arith.constant 0 : i32
    %c0_i32_1 = arith.constant 0 : i32
    return %get3A_0, %c0_i32 : i32, i32
  }
  func.func @transform_2(%arg0: i32, %arg1: i32, %arg2: memref<32xi32, #tpu.memory_space<smem>>, %arg3: memref<32xi32, #tpu.memory_space<smem>>, %arg4: memref<32xi32, #tpu.memory_space<smem>>, %arg5: memref<32xi32, #tpu.memory_space<smem>>) -> (i32, i32) {
    %get3A = arith.index_cast %arg0 : i32 to index
    %get3A_0 = memref.load %arg3[%get3A] : memref<32xi32, #tpu.memory_space<smem>>
    %c0_i32 = arith.constant 0 : i32
    %c0_i32_1 = arith.constant 0 : i32
    return %get3A_0, %c0_i32 : i32, i32
  }
  func.func @transform_3(%arg0: i32, %arg1: i32, %arg2: memref<32xi32, #tpu.memory_space<smem>>, %arg3: memref<32xi32, #tpu.memory_space<smem>>, %arg4: memref<32xi32, #tpu.memory_space<smem>>, %arg5: memref<32xi32, #tpu.memory_space<smem>>) -> (i32, i32, i32) {
    %get3A = arith.index_cast %arg0 : i32 to index
    %get3A_0 = memref.load %arg2[%get3A] : memref<32xi32, #tpu.memory_space<smem>>
    %get3A_1 = arith.index_cast %arg0 : i32 to index
    %get3A_2 = memref.load %arg5[%get3A_1] : memref<32xi32, #tpu.memory_space<smem>>
    %eq3A = arith.constant 1 : i32
    %eq3A_3 = arith.cmpi eq, %get3A_2, %eq3A : i32
    %jit3A = arith.constant 1 : i32
    %select_n3A = arith.select %eq3A_3, %arg1, %jit3A : i32
    %c0_i32 = arith.constant 0 : i32
    %c0_i32_4 = arith.constant 0 : i32
    return %get3A_0, %c0_i32, %select_n3A : i32, i32, i32
  }
  func.func @transform_4(%arg0: i32, %arg1: i32, %arg2: memref<32xi32, #tpu.memory_space<smem>>, %arg3: memref<32xi32, #tpu.memory_space<smem>>, %arg4: memref<32xi32, #tpu.memory_space<smem>>, %arg5: memref<32xi32, #tpu.memory_space<smem>>) -> (i32, i32, i32) {
    %get3A = arith.index_cast %arg0 : i32 to index
    %get3A_0 = memref.load %arg2[%get3A] : memref<32xi32, #tpu.memory_space<smem>>
    %get3A_1 = arith.index_cast %arg0 : i32 to index
    %get3A_2 = memref.load %arg5[%get3A_1] : memref<32xi32, #tpu.memory_space<smem>>
    %eq3A = arith.constant 1 : i32
    %eq3A_3 = arith.cmpi eq, %get3A_2, %eq3A : i32
    %jit3A = arith.constant 1 : i32
    %select_n3A = arith.select %eq3A_3, %arg1, %jit3A : i32
    %c0_i32 = arith.constant 0 : i32
    %c0_i32_4 = arith.constant 0 : i32
    return %get3A_0, %c0_i32, %select_n3A : i32, i32, i32
  }
  func.func @transform_5(%arg0: i32, %arg1: i32, %arg2: memref<32xi32, #tpu.memory_space<smem>>, %arg3: memref<32xi32, #tpu.memory_space<smem>>, %arg4: memref<32xi32, #tpu.memory_space<smem>>, %arg5: memref<32xi32, #tpu.memory_space<smem>>) -> (i32, i32, i32) {
    %get3A = arith.index_cast %arg0 : i32 to index
    %get3A_0 = memref.load %arg2[%get3A] : memref<32xi32, #tpu.memory_space<smem>>
    %get3A_1 = arith.index_cast %arg0 : i32 to index
    %get3A_2 = memref.load %arg5[%get3A_1] : memref<32xi32, #tpu.memory_space<smem>>
    %eq3A = arith.constant 1 : i32
    %eq3A_3 = arith.cmpi eq, %get3A_2, %eq3A : i32
    %jit3A = arith.constant 1 : i32
    %select_n3A = arith.select %eq3A_3, %arg1, %jit3A : i32
    %c0_i32 = arith.constant 0 : i32
    %c0_i32_4 = arith.constant 0 : i32
    return %get3A_0, %select_n3A, %c0_i32 : i32, i32, i32
  }
  func.func @transform_6(%arg0: i32, %arg1: i32, %arg2: memref<32xi32, #tpu.memory_space<smem>>, %arg3: memref<32xi32, #tpu.memory_space<smem>>, %arg4: memref<32xi32, #tpu.memory_space<smem>>, %arg5: memref<32xi32, #tpu.memory_space<smem>>) -> (i32, i32) {
    %c0_i32 = arith.constant 0 : i32
    %c0_i32_0 = arith.constant 0 : i32
    return %arg0, %c0_i32 : i32, i32
  }
}

</mosaic_0001>

<sc_bundles>
// kernel: kernel.6.cloned.1.call-start
scs
__scs_entry_jumppad:
0x0: {  	(pc) =	sbr.rel $0x88, $3  }
0x1: {  	(tag) =	ssettag $0x0;
	lr =	simm.s32 $0x1  }
0x2: {  	[smem:$0x3F9A] =	sst lr;
	_ =	strace $0xD0000000  }
0x3: {  	_ = 	snop  }
0x4: {  	_ = 	snop  }
0x5: {  	_ = 	snop  }
0x6: {  	_ = 	snop  }
0x7: {  	_ = 	snop  }
__scs_overlays_trampoline_lowered:
0x8: {  	[smem:$0x3FA9] =	sst s0  }
0x9: {  	[smem:$0x3FAA] =	sst s1  }
0xa: {  	[smem:$0x3FAB] =	sst s2  }
0xb: {  	[smem:$0x3FAC] =	sst s3  }
0xc: {  	[smem:$0x3FAD] =	sst s4  }
0xd: {  	[smem:$0x3FAE] =	sst s5  }
0xe: {  	[smem:$0x3FAF] =	sst s6  }
0xf: {  	[smem:$0x3FB0] =	sst s7  }
0x10: {  	[smem:$0x3FB1] =	sst s8  }
0x11: {  	[smem:$0x3FB2] =	sst s9;
	s0 =	simm.s32 @!p0 $0x0  }
0x12: {  	s1 =	sld [smem:$0x3F98];
	s0 =	simm.s32 @p0 $0x1  }
0x13: {  	[smem:$0x3FB3] =	sst s0;
	s0 =	simm.s32 @!p1 $0x0  }
0x14: {  	s2 =	sld [smem:$0x3F97];
	s0 =	simm.s32 @p1 $0x1  }
0x15: {  	[smem:$0x3FB4] =	sst s0;
	s0 =	simm.s32 @!p2 $0x0  }
0x16: {  	s3 =	sld [smem:$0x3FDB];
	s0 =	simm.s32 @p2 $0x1  }
0x17: {  	s4 =	simm.s32 $0x1BF5;
	[smem:$0x3FB6] =	sst s0  }
0x18: {  	s0 =	sld [smem:$0x3F99];
	_ =	swait.ge [sflag:s4], $0x0  }
0x19: {  	s7 =	sld [smem:$0x3F9A]  }
0x1a: {  	s8 =	sadd.s32 $0xFFFFE003, lr  }
0x1b: {  	s9 =	sadd.s32 $0xFFFFFEF7, lr;
	s5 =	simm.s32 $0xFFFFFFFF;
	p2 =	slt.u32 s8, $0xFFFFF086  }
0x1c: {  	p1 =	slt.u32 s9, $0xF7A;
	s5 =	simm.s32 @!p2 $0x0  }
0x1d: {  	s5 =	simm.s32 @p1 $0x1;
	p0 =	seq.s32 s7, s2  }
0x1e: {  	s7 =	smul.u32 @!p0 $0xF7A, s2;
	p2 =	seq.s32 @!p0 s5, $0x0  }
0x1f: {  	s9 =	smul.u32 $0xF7A, s1;
	s8 =	simm.s32 @!p0 $0x1BF5;
	p2 =	por !p2, p0  }
0x20: {  	[sflag:s8] =	ssyncset.s32 @!p0 $0xFFFFF086;
	s6 =	sadd.s32 @!p0 s3, s7;
	s7 =	simm.s32 @!p0 $0x108  }
0x21: {  	s3 =	sadd.s32 s3, s9;
	s6 =	sadd.s32 @!p0 $0x88, s6;
	s7 =	simm.s32 @p2 $0x1082  }
0x22: {  	[simem:s7], [sflag:s8] =	dma.local @!p0 [hbm:s6], $0xF7A  }
0x23: {  	s9 =	sor.u32 $0xD0000000, s2;
	s6 =	simm.s32 $0x108;
	_ =	swait.ge @!p0 [sflag:s8], $0x0  }
0x24: {  	s3 =	sadd.s32 $0x88, s3;
	s6 =	simm.s32 @!p1 $0x1082;
	[sflag:s4] =	ssyncset.s32 $0xFFFFF086  }
0x25: {  	[simem:s6], [sflag:s4] =	dma.local [hbm:s3], $0xF7A  }
0x26: {  	[smem:$0x3F9A] =	sst s1;
	(tag) =	ssettag s2;
	_ =	strace s9  }
0x27: {  	s1 =	sld [smem:$0x3FAA]  }
0x28: {  	s2 =	sld [smem:$0x3FAB]  }
0x29: {  	s4 =	sld [smem:$0x3FAD]  }
0x2a: {  	p0 =	seq.s32 s5, $0x0;
	s5 =	sld [smem:$0x3FAE]  }
0x2b: {  	s6 =	sld [smem:$0x3FAF]  }
0x2c: {  	s7 =	sld [smem:$0x3FB0]  }
0x2d: {  	s3 =	simm.s32 $0x108;
	s8 =	sld [smem:$0x3FB1]  }
0x2e: {  	s3 =	simm.s32 @!p0 $0x1082;
	s9 =	sld [smem:$0x3FB2]  }
0x2f: {  	lr =	sadd.s32 s0, s3;
	s0 =	sld [smem:$0x3FA9]  }
0x30: {  	s3 =	sld [smem:$0x3FAC]  }
0x31: {  	[smem:$0x3FB5] =	sst s10  }
0x32: {  	s10 =	sld [smem:$0x3FB3];
	_ =	sdelay $0x3  }
0x33: {  	p0 =	seq.s32 s10, $0x1;
	s10 =	sld [smem:$0x3FB5];
	_ =	sdelay $0x3  }
0x34: {  	[smem:$0x3FB5] =	sst s10  }
0x35: {  	s10 =	sld [smem:$0x3FB4];
	_ =	sdelay $0x3  }
0x36: {  	p1 =	seq.s32 s10, $0x1;
	s10 =	sld [smem:$0x3FB5];
	_ =	sdelay $0x3  }
0x37: {  	[smem:$0x3FB5] =	sst s10  }
0x38: {  	s10 =	sld [smem:$0x3FB6]  }
0x39: {  	_ = 	snop;
	(pc) =	sbr.ind lr, $3  }
0x3a: {  	_ = 	snop  }
0x3b: {  	_ = 	snop  }
0x3c: {  	p2 =	seq.s32 s10, $0x1;
	s10 =	sld [smem:$0x3FB5]  }
0x3d: {  	_ =	shalt  }
0x3e: {  	_ =	shalt  }
0x3f: {  	_ =	shalt  }
0x40: {  	_ =	shalt  }
0x41: {  	_ =	shalt  }
0x42: {  	_ =	shalt  }
0x43: {  	_ =	shalt  }
0x44: {  	_ =	shalt  }
0x45: {  	_ =	shalt  }
0x46: {  	_ =	shalt  }
0x47: {  	_ =	shalt  }
0x48: {  	_ =	shalt  }
0x49: {  	_ =	shalt  }
0x4a: {  	_ =	shalt  }
0x4b: {  	_ =	shalt  }
0x4c: {  	_ =	shalt  }
0x4d: {  	_ =	shalt  }
0x4e: {  	_ =	shalt  }
0x4f: {  	_ =	shalt  }
0x50: {  	_ =	shalt  }
0x51: {  	_ =	shalt  }
0x52: {  	_ =	shalt  }
0x53: {  	_ =	shalt  }
0x54: {  	_ =	shalt  }
0x55: {  	_ =	shalt  }
0x56: {  	_ =	shalt  }
0x57: {  	_ =	shalt  }
0x58: {  	_ =	shalt  }
0x59: {  	_ =	shalt  }
0x5a: {  	_ =	shalt  }
0x5b: {  	_ =	shalt  }
0x5c: {  	_ =	shalt  }
0x5d: {  	_ =	shalt  }
0x5e: {  	_ =	shalt  }
0x5f: {  	_ =	shalt  }
0x60: {  	_ =	shalt  }
0x61: {  	_ =	shalt  }
0x62: {  	_ =	shalt  }
0x63: {  	_ =	shalt  }
0x64: {  	_ =	shalt  }
0x65: {  	_ =	shalt  }
0x66: {  	_ =	shalt  }
0x67: {  	_ =	shalt  }
0x68: {  	_ =	shalt  }
0x69: {  	_ =	shalt  }
0x6a: {  	_ =	shalt  }
0x6b: {  	_ =	shalt  }
0x6c: {  	_ =	shalt  }
0x6d: {  	_ =	shalt  }
0x6e: {  	_ =	shalt  }
0x6f: {  	_ =	shalt  }
0x70: {  	_ =	shalt  }
0x71: {  	_ =	shalt  }
0x72: {  	_ =	shalt  }
0x73: {  	_ =	shalt  }
0x74: {  	_ =	shalt  }
0x75: {  	_ =	shalt  }
0x76: {  	_ =	shalt  }
0x77: {  	_ =	shalt  }
0x78: {  	_ =	shalt  }
0x79: {  	_ =	shalt  }
0x7a: {  	_ =	shalt  }
0x7b: {  	_ =	shalt  }
0x7c: {  	_ =	shalt  }
0x7d: {  	_ =	shalt  }
0x7e: {  	_ =	shalt  }
0x7f: {  	_ =	shalt  }
0x80: {  	_ =	shalt  }
0x81: {  	_ =	shalt  }
0x82: {  	_ =	shalt  }
0x83: {  	_ =	shalt  }
0x84: {  	_ =	shalt  }
0x85: {  	_ =	shalt  }
0x86: {  	_ =	shalt  }
0x87: {  	_ =	shalt  }
.Lfunc_end0:
.L_simem_size_0:
called_computation_lowered:
.L_overlay_start_0:
0x88: {  	s2 =	sld [smem:$0x3FD9]  }
0x89: {  	s3 =	sld [smem:$0x3FFE];
	_ =	sdelay $0x1  }
0x8a: {  	s1 =	srdreg.scid  }
0x8b: {  	s0 =	sand.u32 $0x1, s1  }
0x8c: {  	s16 =	sshll.u32 s0, $0xA;
	s2 =	sadd.s32 s3, s2  }
0x8d: {  	s2 =	sadd.s32 s2, s16  }
0x8e: {  	[smem:$0x3FC1] =	sst s2  }
0x8f: {  	_ = 	snop  }
0x90: {  	(tm) =	ssettm $0x1  }
0x91: {  	s17 =	sld [smem:$0x3FFB];
	_ =	sdelay $0x3  }
0x92: {  	_ =	strace s17  }
0x93: {  	s2 =	sld [smem:$0x3FFC];
	_ =	sdelay $0x3  }
0x94: {  	_ =	strace s2  }
0x95: {  	s2 =	sld [smem:$0x3FFD];
	_ =	sdelay $0x3  }
0x96: {  	_ =	strace s2  }
0x97: {  	_ =	strace $0x8FFFFFFF  }
0x98: {  	s18 =	sld [smem:$0x3FDB];
	_ =	sdelay $0x1  }
0x99: {  	s19 =	simm.s32 $_scs_section_size  }
0x9a: {  	s4 =	simm.s32 $_size__tile_overlayer_lowered;
	s5 =	simm.s32 $_tile_overlayer_lowered  }
0x9b: {  	s22 =	simm.s32 $0x1BFF;
	s21 =	sshll.u32 s5, $0x1;
	s2 =	sadd.s32 s19, s18  }
0x9c: {  	s6 =	simm.s32 $0x0;
	s20 =	sshll.u32 s4, $0x1;
	s4 =	sadd.s32 s21, s2  }
0x9d: {  	[timem:s6], [sflag:s22] =	dma.local [hbm:s4], s20  }
0x9e: {  	_ =	swait.ge [sflag:s22], s20  }
0x9f: {  	s3 =	ssub.s32 $0x0, s20;
	[sflag:s22] =	ssyncset.done $0x0  }
0xa0: {  	[sflag:s22] =	ssyncadd.s32 s3;
	_ =	sdelay $0x1  }
0xa1: {  	s23 =	simm.s32 $0x1B8B  }
0xa2: {  	_ =	swait.ge [sflag:s23], $0x1  }
0xa3: {  	[sflag:s23] =	ssyncset.done $0x0  }
0xa4: {  	s25 =	simm.s32 $0x1B8E;
	s24 =	sld [smem:$0x3FFE];
	[sflag:s23] =	ssyncadd.s32 $0xFFFFFFFF  }
0xa5: {  	s26 =	simm.s32 $execute0_lowered;
	[smem:$0x3FD2] =	sst s25  }
0xa6: {  	s4 =	sshll.u32 s26, $0x1;
	_ =	strace $0x80000046;
	[dreg:$0x1] =	wrdreg $0xFFFFFFFF  }
0xa7: {  	s28 =	simm.s32 $_size_execute0_lowered;
	s2 =	sadd.s32 s2, s4;
	[dreg:$0x0] =	wrdreg $0x0  }
0xa8: {  	s4 =	sshll.u32 s28, $0x1;
	[dreg:$0x2] =	wrdreg s2  }
0xa9: {  	[dreg:$0x3] =	wrdreg s4  }
0xaa: {  	[dreg:$0x4] =	wrdreg $0xC0  }
0xab: {  	_ =	task [dreg:s6], $0x5FFFF  }
0xac: {  	[dreg:$0x1] =	wrdreg $0xFFFFFFFF  }
0xad: {  	[dreg:$0x0] =	wrdreg $0x60  }
0xae: {  	[dreg:$0x2] =	wrdreg s24  }
0xaf: {  	[dreg:$0x3] =	wrdreg $0x9  }
0xb0: {  	_ =	task.clear_ibuf [dreg:s6], $0x4FFFF;
	_ =	strace $0x90000046  }
0xb1: {  	s29 =	simm.s32 $0x9;
	_ =	strace $0x80000048  }
0xb2: {  	_ =	swait.ge [sflag:s29], $0x1  }
0xb3: {  	[sflag:s29] =	ssyncadd.s32 $0xFFFFFFFF  }
0xb4: {  	_ =	strace $0x90000048  }
0xb5: {  	_ =	sfence  }
0xb6: {  	s30 =	sld [smem:$0x0];
	_ =	sdelay $0x2  }
0xb7: {  	s31 =	sshll.u32 s1, $0xD;
	s1 =	sshrl.u32 s1, $0x2  }
0xb8: {  	s3 =	sand.u32 $0x4000, s31;
	s1 =	sadd.s32 s1, s30  }
0xb9: {  	s0 =	sor.u32 s3, s0;
	s1 =	sshll.u32 s1, $0x11  }
0xba: {  	s0 =	sor.u32 s1, s0  }
0xbb: {  	s0 =	sadd.s32 $0x8F2B, s0  }
0xbc: {  	[sflag:s0] =	ssyncadd.remote.s32 $0x1  }
0xbd: {  	_ =	sfence.sel $0xFFFF  }
0xbe: {  	[dreg:$0x0] =	wrdreg $0xFFFFFFFF;
	(pc) =	sbr.abs _section_cstart, $3  }
0xbf: {  	[dreg:$0x1] =	wrdreg $0xFFFFFFFF  }
0xc0: {  	_ =	task.clear_ibuf [dreg:s6], $0x2FFFF;
	_ =	strace $0x9FFFFFFF  }
0xc1: {  	(tm) =	ssettm $0x7FFFFFFF  }
tec
execute0_lowered:
.L_overlay_start_1:
0x0: {  	(tag) =	ssettag $0x1  }
0x1: {  	s0 =	srdreg.scid  }
0x2: {  	s1 =	stileid.u32;
	s0 =	sand.u32 $0x1, s0  }
0x3: {  	s1 =	sshll.u32 s1, $0x1;
	s3 =	ssub.s32 $0x0, s0  }
0x4: {  	p0 =	sne.s32 s1, s3  }
.Ltmp0:
0x5: {  	_ = 	snop;
	(pc) =	sbr.rel @p0 .LBB2_9-.Ltmp0, $2  }
0x6: {  	_ =	sdelay $0x2  }
0x7: {  	s2 =	rddreg [dreg:$0x0];
	_ =	strace $0x80000047  }
0x8: {  	s3 =	sadd.s32 $0x200, s2;
	s4 =	sadd.s32 $0x400, s2;
	s5 =	sadd.s32 $0x600, s2  }
0x9: {  	s6 =	sadd.s32 $0x800, s2;
	s7 =	sadd.s32 $0xA00, s2;
	s0 =	ssub.s32 $0x2, s0  }
0xa: {  	s8 =	sadd.s32 $0xC00, s2;
	s9 =	sadd.s32 $0x1600, s2;
	s10 =	sadd.s32 $0x1800, s2  }
0xb: {  	s11 =	sadd.s32 $0xE00, s2;
	s12 =	sadd.s32 $0x1200, s2;
	s14 =	simm.s32 $0x0  }
0xc: {  	s15 =	simm.s32 $0x1;
	s16 =	simm.s32 $0x800;
	s17 =	simm.s32 $0x1000  }
0xd: {  	s18 =	simm.s32 $0x1800;
	s19 =	simm.s32 $0x2000;
	s20 =	simm.s32 $0x2800  }
0xe: {  	s21 =	simm.s32 $0x6D00;
	s22 =	simm.s32 $0x4000;
	s1 =	sshrl.u32 s0, $0x1  }
0xf: {  	s23 =	simm.s32 $0x5680;
	s24 =	simm.s32 $0x3000;
	s0 =	ssub.s32 s0, s1  }
0x10: {  	v0 =	vimm.s32 $0x0;
	v1 =	vimm.f32 $0.0e+00;
	v2 =	vlaneseq.u32;
	s25 =	simm.s32 $0x3800;
	s26 =	simm.s32 $0x0;
	s13 =	smax.u32 s0, $0x1  }
.LBB2_2:
0x11: {  	[tilespmem:s14], [sflag:$0x1] =	stream.linear.gather [hbm4b:s3+s14], $0x800, $0x38;
	[tilespmem:$0x6D80] =	vst v63  }
0x12: {  	_ =	swait.ge [sflag:s15], $0x800  }
0x13: {  	[sflag:s15] =	ssyncset.done $0x0  }
0x14: {  	[sflag:s15] =	ssyncadd.s32 $0xFFFFF800  }
0x15: {  	[tilespmem:s16], [sflag:$0x1] =	stream.linear.gather [hbm4b:s4+s14], $0x800, $0x38;
	[tilespmem:$0x6D80] =	vst v63  }
0x16: {  	_ =	swait.ge [sflag:s15], $0x800  }
0x17: {  	[sflag:s15] =	ssyncset.done $0x0  }
0x18: {  	[sflag:s15] =	ssyncadd.s32 $0xFFFFF800  }
0x19: {  	[tilespmem:s17], [sflag:$0x1] =	stream.linear.gather [hbm4b:s5+s14], $0x800, $0x38;
	[tilespmem:$0x6D80] =	vst v63  }
0x1a: {  	_ =	swait.ge [sflag:s15], $0x800  }
0x1b: {  	[sflag:s15] =	ssyncset.done $0x0  }
0x1c: {  	[sflag:s15] =	ssyncadd.s32 $0xFFFFF800  }
0x1d: {  	[tilespmem:s18], [sflag:$0x1] =	stream.linear.gather [hbm4b:s6+s14], $0x800, $0x38;
	[tilespmem:$0x6D80] =	vst v63  }
0x1e: {  	_ =	swait.ge [sflag:s15], $0x800  }
0x1f: {  	[sflag:s15] =	ssyncset.done $0x0  }
0x20: {  	[sflag:s15] =	ssyncadd.s32 $0xFFFFF800  }
0x21: {  	[tilespmem:s19], [sflag:$0x1] =	stream.linear.gather [hbm4b:s7+s14], $0x800, $0x38;
	[tilespmem:$0x6D80] =	vst v63  }
0x22: {  	_ =	swait.ge [sflag:s15], $0x800  }
0x23: {  	[sflag:s15] =	ssyncset.done $0x0  }
0x24: {  	[sflag:s15] =	ssyncadd.s32 $0xFFFFF800  }
0x25: {  	[tilespmem:s20], [sflag:$0x1] =	stream.linear.gather [hbm4b:s8+s14], $0x800, $0x38;
	[tilespmem:$0x6D80] =	vst v63  }
0x26: {  	_ =	swait.ge [sflag:s15], $0x800  }
0x27: {  	[sflag:s15] =	ssyncset.done $0x0  }
0x28: {  	[sflag:s15] =	ssyncadd.s32 $0xFFFFF800  }
0x29: {  	[tilespmem:s21], [sflag:$0x1] =	stream.linear.gather [hbm4b:s2+s14], $0x10, $0x38;
	[tilespmem:$0x6D80] =	vst v63  }
0x2a: {  	_ =	swait.ge [sflag:s15], $0x10  }
0x2b: {  	[sflag:s15] =	ssyncset.done $0x0  }
0x2c: {  	s0 =	simm.s32 $0x0;
	[sflag:s15] =	ssyncadd.s32 $0xFFFFFFF0  }
.LBB2_3:
0x2d: {  	p0 =	sne.s32 s0, $0x59C0  }
.Ltmp1:
0x2e: {  	_ = 	snop;
	(pc) =	sbr.rel @p0 .LBB2_3-.Ltmp1, $4  }
0x2f: {  	_ = 	snop  }
0x30: {  	s1 =	sshra.s32 s0, $0x2  }
0x31: {  	[tilespmem:s1+$0x4000] =	vst v0  }
0x32: {  	s0 =	sadd.s32 $0x40, s0;
	[tilespmem:s1+$0x5680] =	vst v1  }
0x33: {  	s28 =	simm.s32 $0x0;
	s29 =	simm.s32 $0x1000;
	s30 =	simm.s32 $0x3000  }
0x34: {  	s31 =	simm.s32 $0x2000;
	s1 =	simm.s32 $0x0;
	s0 =	simm.s32 $0x0  }
.LBB2_5:
0x35: {  	v3 =	vld [tilespmem:s1+$0x0];
	_ =	sdelay $0x6  }
0x36: {  	v4 =	vld [tilespmem:s29+$0x0]  }
0x37: {  	v3 =	vld.idx.msk [tilespmem:v3+s21+$0x0], $0xffff;
	_ =	sdelay $0x4  }
0x38: {  	v3 =	vadd.s32 v3, v4;
	_ =	sdelay $0x3  }
0x39: {  	v63 =	vor.u32 s0, v2;
	[tilespmem:s30+$0x0] =	vst v3  }
0x3a: {  	[tilespmem:v3+s22+$0x0] =	vst.idx.msk $0xffff, v63  }
0x3b: {  	p0 =	sne.s32 s0, $0x7F0;
	v4 =	vld [tilespmem:s31+$0x0]  }
.Ltmp2:
0x3c: {  	_ = 	snop;
	(pc) =	sbr.rel @p0 .LBB2_5-.Ltmp2, $3  }
0x3d: {  	_ =	sdelay $0x1  }
0x3e: {  	s1 =	sadd.s32 $0x10, s1;
	s29 =	sadd.s32 $0x10, s29  }
0x3f: {  	s0 =	sadd.s32 $0x10, s0;
	s30 =	sadd.s32 $0x10, s30;
	s31 =	sadd.s32 $0x10, s31;
	[tilespmem:v3+s23+$0x0] =	vst.idx.msk $0xffff, v4  }
0x40: {  	s29 =	simm.s32 $0x800  }
0x41: {  	s30 =	simm.s32 $0x1800;
	s31 =	simm.s32 $0x3800;
	s1 =	simm.s32 $0x2800  }
.LBB2_7:
0x42: {  	v3 =	vld [tilespmem:s29+$0x0];
	_ =	sdelay $0x6  }
0x43: {  	v4 =	vld [tilespmem:s30+$0x0]  }
0x44: {  	v3 =	vld.idx.msk [tilespmem:v3+s21+$0x0], $0xffff;
	_ =	sdelay $0x4  }
0x45: {  	v3 =	vadd.s32 v3, v4;
	_ =	sdelay $0x3  }
0x46: {  	v63 =	vor.u32 s28, v2;
	[tilespmem:s31+$0x0] =	vst v3  }
0x47: {  	[tilespmem:v3+s22+$0x0] =	vst.idx.msk $0xffff, v63  }
0x48: {  	p0 =	sne.s32 s28, $0x7F0;
	v4 =	vld [tilespmem:s1+$0x0]  }
.Ltmp3:
0x49: {  	_ = 	snop;
	(pc) =	sbr.rel @p0 .LBB2_7-.Ltmp3, $3  }
0x4a: {  	_ =	sdelay $0x1  }
0x4b: {  	s29 =	sadd.s32 $0x10, s29;
	s30 =	sadd.s32 $0x10, s30  }
0x4c: {  	s28 =	sadd.s32 $0x10, s28;
	s31 =	sadd.s32 $0x10, s31;
	s1 =	sadd.s32 $0x10, s1;
	[tilespmem:v3+s23+$0x0] =	vst.idx.msk $0xffff, v4  }
0x4d: {  	[hbm4b:s9+s14] =	stream.linear.scatter [tilespmem:s24], [sflag:$0x1], $0x800, $0x38;
	[tilespmem:$0x6D80] =	vst v63  }
0x4e: {  	_ =	swait.ge [sflag:s15], $0x800  }
0x4f: {  	[sflag:s15] =	ssyncset.done $0x0  }
0x50: {  	[sflag:s15] =	ssyncadd.s32 $0xFFFFF800  }
0x51: {  	[hbm4b:s10+s14] =	stream.linear.scatter [tilespmem:s25], [sflag:$0x1], $0x800, $0x38;
	[tilespmem:$0x6D80] =	vst v63  }
0x52: {  	_ =	swait.ge [sflag:s15], $0x800  }
0x53: {  	[sflag:s15] =	ssyncset.done $0x0  }
0x54: {  	[sflag:s15] =	ssyncadd.s32 $0xFFFFF800  }
0x55: {  	[hbm4b:s11+s14] =	stream.linear.scatter [tilespmem:s22], [sflag:$0x1], $0x1680, $0x38;
	[tilespmem:$0x6D80] =	vst v63  }
0x56: {  	s26 =	sadd.s32 $0x1, s26;
	_ =	swait.ge [sflag:s15], $0x1680  }
0x57: {  	p0 =	sne.s32 s26, s13;
	[sflag:s15] =	ssyncset.done $0x0  }
.Ltmp4:
0x58: {  	[sflag:s15] =	ssyncadd.s32 $0xFFFFE980;
	(pc) =	sbr.rel @p0 .LBB2_2-.Ltmp4, $4  }
0x59: {  	[hbm4b:s12+s14] =	stream.linear.scatter [tilespmem:s23], [sflag:$0x1], $0x1680, $0x38;
	[tilespmem:$0x6D80] =	vst v63  }
0x5a: {  	_ =	swait.ge [sflag:s15], $0x1680  }
0x5b: {  	[sflag:s15] =	ssyncset.done $0x0  }
0x5c: {  	[sflag:s15] =	ssyncadd.s32 $0xFFFFE980  }
.LBB2_9:
0x5d: {  	_ =	sfence.sel $0x180000  }
0x5e: {  	[bflag:$0x0] =	sbarrier.arrive $0xFFFF  }
0x5f: {  	_ =	strace $0x90000047  }
0x60: {  	s0 =	stileid.u32;
	[bflag:$0x2] =	sbarrier.arrive $0xFFFF  }
0x61: {  	p0 =	sne.s32 s0, $0x0;
	s0 =	rddreg [dreg:$0x1]  }
0x62: {  	s0 =	sadd.s32 @!p0 $0x100000, s0  }
0x63: {  	[sflag:s0] =	ssyncadd.tile.s32 @!p0 $0x1;
	_ =	shalt  }
.Lfunc_end2:
_tile_overlayer_lowered:
.L_overlay_start_2:
0x64: {  	(tag) =	ssettag $0x2  }
0x65: {  	s0 =	rddreg [dreg:$0x0];
	s2 =	stileid.u32  }
0x66: {  	s1 =	rddreg [dreg:$0x1];
	p0 =	sne.s32 s2, $0x0  }
0x67: {  	s3 =	rddreg [dreg:$0x2];
	[bflag:$0x3] =	sbarrier.arrive $0xFFFF;
	s2 =	simm.s32 @!p0 $0x1C01  }
0x68: {  	[timem:s3], [sflag:s2] =	dma.local @!p0 [hbm:s0], s1  }
0x69: {  	s0 =	simm.s32 @!p0 $0x1  }
0x6a: {  	_ =	swait.ge @!p0 [sflag:s0], s1  }
0x6b: {  	s1 =	ssub.s32 @!p0 $0x0, s1;
	[sflag:s0] =	ssyncset.done @!p0 $0x0  }
0x6c: {  	[sflag:s0] =	ssyncadd.s32 @!p0 s1  }
0x6d: {  	[bflag:$0x3] =	sbarrier.arrive $0xFFFF  }
0x6e: {  	_ =	shalt  }

// kernel: kernel.9.cloned.1.call-start
scs
__scs_entry_jumppad:
0x0: {  	(pc) =	sbr.rel $0x88, $3  }
0x1: {  	(tag) =	ssettag $0x0;
	lr =	simm.s32 $0x1  }
0x2: {  	[smem:$0x3F9A] =	sst lr;
	_ =	strace $0xD0000000  }
0x3: {  	_ = 	snop  }
0x4: {  	_ = 	snop  }
0x5: {  	_ = 	snop  }
0x6: {  	_ = 	snop  }
0x7: {  	_ = 	snop  }
__scs_overlays_trampoline_lowered:
0x8: {  	[smem:$0x3FA9] =	sst s0  }
0x9: {  	[smem:$0x3FAA] =	sst s1  }
0xa: {  	[smem:$0x3FAB] =	sst s2  }
0xb: {  	[smem:$0x3FAC] =	sst s3  }
0xc: {  	[smem:$0x3FAD] =	sst s4  }
0xd: {  	[smem:$0x3FAE] =	sst s5  }
0xe: {  	[smem:$0x3FAF] =	sst s6  }
0xf: {  	[smem:$0x3FB0] =	sst s7  }
0x10: {  	[smem:$0x3FB1] =	sst s8  }
0x11: {  	[smem:$0x3FB2] =	sst s9;
	s0 =	simm.s32 @!p0 $0x0  }
0x12: {  	s1 =	sld [smem:$0x3F98];
	s0 =	simm.s32 @p0 $0x1  }
0x13: {  	[smem:$0x3FB3] =	sst s0;
	s0 =	simm.s32 @!p1 $0x0  }
0x14: {  	s2 =	sld [smem:$0x3F97];
	s0 =	simm.s32 @p1 $0x1  }
0x15: {  	[smem:$0x3FB4] =	sst s0;
	s0 =	simm.s32 @!p2 $0x0  }
0x16: {  	s3 =	sld [smem:$0x3FDB];
	s0 =	simm.s32 @p2 $0x1  }
0x17: {  	s4 =	simm.s32 $0x1BF5;
	[smem:$0x3FB6] =	sst s0  }
0x18: {  	s0 =	sld [smem:$0x3F99];
	_ =	swait.ge [sflag:s4], $0x0  }
0x19: {  	s7 =	sld [smem:$0x3F9A]  }
0x1a: {  	s8 =	sadd.s32 $0xFFFFE003, lr  }
0x1b: {  	s9 =	sadd.s32 $0xFFFFFEF7, lr;
	s5 =	simm.s32 $0xFFFFFFFF;
	p2 =	slt.u32 s8, $0xFFFFF086  }
0x1c: {  	p1 =	slt.u32 s9, $0xF7A;
	s5 =	simm.s32 @!p2 $0x0  }
0x1d: {  	s5 =	simm.s32 @p1 $0x1;
	p0 =	seq.s32 s7, s2  }
0x1e: {  	s7 =	smul.u32 @!p0 $0xF7A, s2;
	p2 =	seq.s32 @!p0 s5, $0x0  }
0x1f: {  	s9 =	smul.u32 $0xF7A, s1;
	s8 =	simm.s32 @!p0 $0x1BF5;
	p2 =	por !p2, p0  }
0x20: {  	[sflag:s8] =	ssyncset.s32 @!p0 $0xFFFFF086;
	s6 =	sadd.s32 @!p0 s3, s7;
	s7 =	simm.s32 @!p0 $0x108  }
0x21: {  	s3 =	sadd.s32 s3, s9;
	s6 =	sadd.s32 @!p0 $0x88, s6;
	s7 =	simm.s32 @p2 $0x1082  }
0x22: {  	[simem:s7], [sflag:s8] =	dma.local @!p0 [hbm:s6], $0xF7A  }
0x23: {  	s9 =	sor.u32 $0xD0000000, s2;
	s6 =	simm.s32 $0x108;
	_ =	swait.ge @!p0 [sflag:s8], $0x0  }
0x24: {  	s3 =	sadd.s32 $0x88, s3;
	s6 =	simm.s32 @!p1 $0x1082;
	[sflag:s4] =	ssyncset.s32 $0xFFFFF086  }
0x25: {  	[simem:s6], [sflag:s4] =	dma.local [hbm:s3], $0xF7A  }
0x26: {  	[smem:$0x3F9A] =	sst s1;
	(tag) =	ssettag s2;
	_ =	strace s9  }
0x27: {  	s1 =	sld [smem:$0x3FAA]  }
0x28: {  	s2 =	sld [smem:$0x3FAB]  }
0x29: {  	s4 =	sld [smem:$0x3FAD]  }
0x2a: {  	p0 =	seq.s32 s5, $0x0;
	s5 =	sld [smem:$0x3FAE]  }
0x2b: {  	s6 =	sld [smem:$0x3FAF]  }
0x2c: {  	s7 =	sld [smem:$0x3FB0]  }
0x2d: {  	s3 =	simm.s32 $0x108;
	s8 =	sld [smem:$0x3FB1]  }
0x2e: {  	s3 =	simm.s32 @!p0 $0x1082;
	s9 =	sld [smem:$0x3FB2]  }
0x2f: {  	lr =	sadd.s32 s0, s3;
	s0 =	sld [smem:$0x3FA9]  }
0x30: {  	s3 =	sld [smem:$0x3FAC]  }
0x31: {  	[smem:$0x3FB5] =	sst s10  }
0x32: {  	s10 =	sld [smem:$0x3FB3];
	_ =	sdelay $0x3  }
0x33: {  	p0 =	seq.s32 s10, $0x1;
	s10 =	sld [smem:$0x3FB5];
	_ =	sdelay $0x3  }
0x34: {  	[smem:$0x3FB5] =	sst s10  }
0x35: {  	s10 =	sld [smem:$0x3FB4];
	_ =	sdelay $0x3  }
0x36: {  	p1 =	seq.s32 s10, $0x1;
	s10 =	sld [smem:$0x3FB5];
	_ =	sdelay $0x3  }
0x37: {  	[smem:$0x3FB5] =	sst s10  }
0x38: {  	s10 =	sld [smem:$0x3FB6]  }
0x39: {  	_ = 	snop;
	(pc) =	sbr.ind lr, $3  }
0x3a: {  	_ = 	snop  }
0x3b: {  	_ = 	snop  }
0x3c: {  	p2 =	seq.s32 s10, $0x1;
	s10 =	sld [smem:$0x3FB5]  }
0x3d: {  	_ =	shalt  }
0x3e: {  	_ =	shalt  }
0x3f: {  	_ =	shalt  }
0x40: {  	_ =	shalt  }
0x41: {  	_ =	shalt  }
0x42: {  	_ =	shalt  }
0x43: {  	_ =	shalt  }
0x44: {  	_ =	shalt  }
0x45: {  	_ =	shalt  }
0x46: {  	_ =	shalt  }
0x47: {  	_ =	shalt  }
0x48: {  	_ =	shalt  }
0x49: {  	_ =	shalt  }
0x4a: {  	_ =	shalt  }
0x4b: {  	_ =	shalt  }
0x4c: {  	_ =	shalt  }
0x4d: {  	_ =	shalt  }
0x4e: {  	_ =	shalt  }
0x4f: {  	_ =	shalt  }
0x50: {  	_ =	shalt  }
0x51: {  	_ =	shalt  }
0x52: {  	_ =	shalt  }
0x53: {  	_ =	shalt  }
0x54: {  	_ =	shalt  }
0x55: {  	_ =	shalt  }
0x56: {  	_ =	shalt  }
0x57: {  	_ =	shalt  }
0x58: {  	_ =	shalt  }
0x59: {  	_ =	shalt  }
0x5a: {  	_ =	shalt  }
0x5b: {  	_ =	shalt  }
0x5c: {  	_ =	shalt  }
0x5d: {  	_ =	shalt  }
0x5e: {  	_ =	shalt  }
0x5f: {  	_ =	shalt  }
0x60: {  	_ =	shalt  }
0x61: {  	_ =	shalt  }
0x62: {  	_ =	shalt  }
0x63: {  	_ =	shalt  }
0x64: {  	_ =	shalt  }
0x65: {  	_ =	shalt  }
0x66: {  	_ =	shalt  }
0x67: {  	_ =	shalt  }
0x68: {  	_ =	shalt  }
0x69: {  	_ =	shalt  }
0x6a: {  	_ =	shalt  }
0x6b: {  	_ =	shalt  }
0x6c: {  	_ =	shalt  }
0x6d: {  	_ =	shalt  }
0x6e: {  	_ =	shalt  }
0x6f: {  	_ =	shalt  }
0x70: {  	_ =	shalt  }
0x71: {  	_ =	shalt  }
0x72: {  	_ =	shalt  }
0x73: {  	_ =	shalt  }
0x74: {  	_ =	shalt  }
0x75: {  	_ =	shalt  }
0x76: {  	_ =	shalt  }
0x77: {  	_ =	shalt  }
0x78: {  	_ =	shalt  }
0x79: {  	_ =	shalt  }
0x7a: {  	_ =	shalt  }
0x7b: {  	_ =	shalt  }
0x7c: {  	_ =	shalt  }
0x7d: {  	_ =	shalt  }
0x7e: {  	_ =	shalt  }
0x7f: {  	_ =	shalt  }
0x80: {  	_ =	shalt  }
0x81: {  	_ =	shalt  }
0x82: {  	_ =	shalt  }
0x83: {  	_ =	shalt  }
0x84: {  	_ =	shalt  }
0x85: {  	_ =	shalt  }
0x86: {  	_ =	shalt  }
0x87: {  	_ =	shalt  }
.Lfunc_end0:
.L_simem_size_0:
called_computation.1_lowered:
.L_overlay_start_0:
0x88: {  	s2 =	sld [smem:$0x3FD9]  }
0x89: {  	s3 =	sld [smem:$0x3FFE];
	_ =	sdelay $0x1  }
0x8a: {  	s1 =	srdreg.scid  }
0x8b: {  	s0 =	sand.u32 $0x1, s1  }
0x8c: {  	s17 =	sshll.u32 s0, $0xA;
	s2 =	sadd.s32 s3, s2  }
0x8d: {  	s2 =	sadd.s32 s2, s17  }
0x8e: {  	[smem:$0x3FC1] =	sst s2  }
0x8f: {  	_ = 	snop  }
0x90: {  	s2 =	sld [smem:$0x3FD0];
	(tm) =	ssettm $0x1  }
0x91: {  	s18 =	sld [smem:$0x3FFB];
	_ =	sdelay $0x3  }
0x92: {  	_ =	strace s18  }
0x93: {  	s3 =	sld [smem:$0x3FFC];
	_ =	sdelay $0x3  }
0x94: {  	_ =	strace s3  }
0x95: {  	s3 =	sld [smem:$0x3FFD];
	_ =	sdelay $0x3  }
0x96: {  	_ =	strace s3  }
0x97: {  	_ =	strace $0x8FFFFFFF  }
0x98: {  	s19 =	sld [smem:$0x3FDB];
	_ =	sdelay $0x1  }
0x99: {  	s4 =	simm.s32 $_scs_section_size  }
0x9a: {  	s5 =	simm.s32 $_size__tile_overlayer_lowered;
	s6 =	simm.s32 $_tile_overlayer_lowered  }
0x9b: {  	s22 =	simm.s32 $0x1BFF;
	s21 =	sshll.u32 s6, $0x1;
	s3 =	sadd.s32 s4, s19  }
0x9c: {  	s7 =	simm.s32 $0x0;
	s20 =	sshll.u32 s5, $0x1;
	s5 =	sadd.s32 s21, s3  }
0x9d: {  	[timem:s7], [sflag:s22] =	dma.local [hbm:s5], s20  }
0x9e: {  	_ =	swait.ge [sflag:s22], s20  }
0x9f: {  	s4 =	ssub.s32 $0x0, s20;
	[sflag:s22] =	ssyncset.done $0x0  }
0xa0: {  	[sflag:s22] =	ssyncadd.s32 s4;
	_ =	sdelay $0x1  }
0xa1: {  	s23 =	simm.s32 $0x1B8B  }
0xa2: {  	_ =	swait.ge [sflag:s23], $0x1  }
0xa3: {  	[sflag:s23] =	ssyncset.done $0x0  }
0xa4: {  	s25 =	simm.s32 $0x1B8E;
	s24 =	sld [smem:$0x3FFE];
	[sflag:s23] =	ssyncadd.s32 $0xFFFFFFFF  }
0xa5: {  	s26 =	simm.s32 $execute0_lowered;
	[smem:$0x3FD2] =	sst s25  }
0xa6: {  	s5 =	sshll.u32 s26, $0x1;
	_ =	strace $0x80000049;
	[dreg:$0x1] =	wrdreg $0xFFFFFFFF  }
0xa7: {  	s28 =	simm.s32 $_size_execute0_lowered;
	s3 =	sadd.s32 s3, s5;
	[dreg:$0x0] =	wrdreg $0x0  }
0xa8: {  	s5 =	sshll.u32 s28, $0x1;
	[dreg:$0x2] =	wrdreg s3  }
0xa9: {  	[dreg:$0x3] =	wrdreg s5  }
0xaa: {  	[dreg:$0x4] =	wrdreg $0xC0  }
0xab: {  	_ =	task [dreg:s7], $0x5FFFF  }
0xac: {  	[dreg:$0x1] =	wrdreg $0xFFFFFFFF  }
0xad: {  	[dreg:$0x0] =	wrdreg $0x60  }
0xae: {  	[dreg:$0x2] =	wrdreg s24  }
0xaf: {  	[dreg:$0x3] =	wrdreg s2  }
0xb0: {  	[dreg:$0x4] =	wrdreg $0x9  }
0xb1: {  	_ =	task.clear_ibuf [dreg:s7], $0x5FFFF;
	_ =	strace $0x90000049  }
0xb2: {  	s29 =	simm.s32 $0x9;
	_ =	strace $0x8000004B  }
0xb3: {  	_ =	swait.ge [sflag:s29], $0x1  }
0xb4: {  	[sflag:s29] =	ssyncadd.s32 $0xFFFFFFFF  }
0xb5: {  	_ =	strace $0x9000004B  }
0xb6: {  	_ =	sfence  }
0xb7: {  	s30 =	sld [smem:$0x0];
	_ =	sdelay $0x2  }
0xb8: {  	s31 =	sshll.u32 s1, $0xD;
	s1 =	sshrl.u32 s1, $0x2  }
0xb9: {  	s3 =	sand.u32 $0x4000, s31;
	s1 =	sadd.s32 s1, s30  }
0xba: {  	s0 =	sor.u32 s3, s0;
	s1 =	sshll.u32 s1, $0x11  }
0xbb: {  	s0 =	sor.u32 s1, s0  }
0xbc: {  	s0 =	sadd.s32 $0x8F2B, s0  }
0xbd: {  	[sflag:s0] =	ssyncadd.remote.s32 $0x1  }
0xbe: {  	_ =	sfence.sel $0xFFFF  }
0xbf: {  	[dreg:$0x0] =	wrdreg $0xFFFFFFFF;
	(pc) =	sbr.abs _section_cstart, $3  }
0xc0: {  	[dreg:$0x1] =	wrdreg $0xFFFFFFFF  }
0xc1: {  	_ =	task.clear_ibuf [dreg:s7], $0x2FFFF;
	_ =	strace $0x9FFFFFFF  }
0xc2: {  	(tm) =	ssettm $0x7FFFFFFF  }
0xc3: {  	_ =	shalt  }
tec
execute0_lowered:
.L_overlay_start_1:
0x0: {  	(tag) =	ssettag $0x1  }
0x1: {  	s0 =	srdreg.scid;
	s1 =	rddreg [dreg:$0x0]  }
0x2: {  	s2 =	stileid.u32;
	s4 =	rddreg [dreg:$0x1]  }
0x3: {  	s12 =	simm.s32 $0x3;
	s14 =	simm.s32 $0x100;
	s13 =	simm.s32 $0x9900  }
0x4: {  	s15 =	simm.s32 $0xB100;
	s10 =	simm.s32 $0xB900;
	s16 =	simm.s32 $0xC100  }
0x5: {  	s11 =	simm.s32 $0xC900;
	s17 =	simm.s32 $0xD100;
	s18 =	simm.s32 $0xD900  }
0x6: {  	s19 =	simm.s32 $0xE100;
	s20 =	simm.s32 $0xE900;
	s21 =	simm.s32 $0xF100  }
0x7: {  	s22 =	simm.s32 $0xF900;
	s23 =	simm.s32 $0x1;
	s24 =	simm.s32 $0x2  }
0x8: {  	s9 =	simm.s32 $0x0;
	s0 =	sand.u32 $0x1, s0;
	s3 =	sshll.u32 s2, $0x7  }
0x9: {  	s2 =	simm.s32 $0x0;
	s8 =	sadd.s32 $0x2F500, s1;
	s5 =	sshll.u32 s0, $0x6  }
0xa: {  	[smem:$0x7FF] =	sst s2;
	s0 =	ssub.s32 $0x2, s0;
	s5 =	sor.u32 s5, s3  }
0xb: {  	s7 =	sshrl.u32 s0, $0x1;
	s3 =	sshrl.u32 s5, $0x3;
	s5 =	sshll.u32 s5, $0x7  }
0xc: {  	_ =	strace $0x8000004A;
	s0 =	ssub.s32 s0, s7;
	s31 =	sadd.s32 s4, s5  }
0xd: {  	s6 =	sadd.s32 s3, s1;
	s0 =	smax.u32 s0, $0x1;
	[dreg:$0x5] =	wrdreg s31  }
0xe: {  	s7 =	sadd.s32 $0x2F400, s1;
	s30 =	sadd.s32 $0x1600, s6;
	[dreg:$0x7] =	wrdreg s0  }
0xf: {  	v2 =	vlaneseq.u32;
	s3 =	sadd.s32 $0x2F200, s1;
	s6 =	sadd.s32 $0x1800, s6;
	[dreg:$0x3] =	wrdreg s30  }
0x10: {  	vm0 =	vmmov $0xffff;
	v1 =	vshrl.u32 v2, $0x3;
	[dreg:$0x4] =	wrdreg s6;
	s6 =	sadd.s32 $0x2F300, s1;
	s1 =	sadd.s32 $0x1000, s31  }
0x11: {  	v0 =	vand.u32 $0x7, v2;
	v2 =	vor.u32 $0x8, v2;
	v1 =	vmul.u32 $0x8, v1;
	s4 =	simm.s32 $0xA100;
	s5 =	simm.s32 $0xA900;
	[dreg:$0x6] =	wrdreg s1  }
.LBB2_1:
0x12: {  	s0 =	rddreg [dreg:$0x3]  }
0x13: {  	[tilespmem:s2], [sflag:$0x3] =	stream.linear.gather [hbm4b:s0+s2], $0x40, $0x38;
	[tilespmem:$0x10100] =	vst v63  }
0x14: {  	_ =	swait.ge [sflag:s12], $0x40  }
0x15: {  	[sflag:s12] =	ssyncset.done $0x0  }
0x16: {  	s1 =	simm.s32 $0x80;
	s26 =	rddreg [dreg:$0x4];
	[sflag:s12] =	ssyncadd.s32 $0xFFFFFFC0  }
0x17: {  	[tilespmem:s1], [sflag:$0x3] =	stream.linear.gather [hbm4b:s26+s2], $0x40, $0x38;
	[tilespmem:$0x10100] =	vst v63  }
0x18: {  	_ =	swait.ge [sflag:s12], $0x40  }
0x19: {  	[sflag:s12] =	ssyncset.done $0x0  }
0x1a: {  	[sflag:s12] =	ssyncadd.s32 $0xFFFFFFC0  }
0x1b: {  	v3 =	vld [tilespmem:$0x0];
	_ =	sdelay $0x4  }
0x1c: {  	v4 =	vshll.u32 v3, $0x3  }
0x1d: {  	v3 =	vand.u32 $0x7, v3;
	v4 =	vand.u32 $0xFFFFFFC0, v4  }
0x1e: {  	v3 =	vor.u32 v3, v4  }
0x1f: {  	v4 =	vperm.xlane v3, v0;
	_ =	sdelay $0x1  }
0x20: {  	v4 =	vadd.s32 v1, v4;
	_ =	sdelay $0x4  }
0x21: {  	[tilespmem:s14], [sflag:$0x1] =	stream.indirect_vreg.gather [hbm4b:s3+s2], $0x80, v4, vm0, $0xb8;
	[tilespmem:$0x10100] =	vst v63  }
0x22: {  	s28 =	simm.s32 $0x900;
	v3 =	vperm.xlane v3, v2  }
0x23: {  	[tilespmem:s28], [sflag:$0x1] =	stream.indirect_vreg.gather [hbm4b:s6+s2], $0x80, v4, vm0, $0xb8;
	[tilespmem:$0x10100] =	vst v63  }
0x24: {  	s29 =	simm.s32 $0x1100;
	v3 =	vadd.s32 v1, v3  }
0x25: {  	[tilespmem:s29], [sflag:$0x1] =	stream.indirect_vreg.gather [hbm4b:s7+s2], $0x80, v4, vm0, $0xb8;
	[tilespmem:$0x10100] =	vst v63  }
0x26: {  	s30 =	simm.s32 $0x1900  }
0x27: {  	[tilespmem:s30], [sflag:$0x1] =	stream.indirect_vreg.gather [hbm4b:s8+s2], $0x80, v4, vm0, $0xb8;
	[tilespmem:$0x10100] =	vst v63  }
0x28: {  	s31 =	simm.s32 $0x2100  }
0x29: {  	[tilespmem:s31], [sflag:$0x1] =	stream.indirect_vreg.gather [hbm4b:s3+s2], $0x80, v3, vm0, $0xb8;
	[tilespmem:$0x10100] =	vst v63  }
0x2a: {  	s1 =	simm.s32 $0x2900  }
0x2b: {  	[tilespmem:s1], [sflag:$0x1] =	stream.indirect_vreg.gather [hbm4b:s6+s2], $0x80, v3, vm0, $0xb8;
	[tilespmem:$0x10100] =	vst v63  }
0x2c: {  	s25 =	simm.s32 $0x3100  }
0x2d: {  	[tilespmem:s25], [sflag:$0x1] =	stream.indirect_vreg.gather [hbm4b:s7+s2], $0x80, v3, vm0, $0xb8;
	[tilespmem:$0x10100] =	vst v63  }
0x2e: {  	s26 =	simm.s32 $0x3900  }
0x2f: {  	[tilespmem:s26], [sflag:$0x1] =	stream.indirect_vreg.gather [hbm4b:s8+s2], $0x80, v3, vm0, $0xb8;
	[tilespmem:$0x10100] =	vst v63  }
0x30: {  	v3 =	vld [tilespmem:$0x10];
	_ =	sdelay $0x4  }
0x31: {  	v61 =	vshll.u32 v3, $0x3  }
0x32: {  	v3 =	vand.u32 $0x7, v3;
	v4 =	vand.u32 $0xFFFFFFC0, v61  }
0x33: {  	v3 =	vor.u32 v3, v4  }
0x34: {  	v4 =	vperm.xlane v3, v0;
	_ =	sdelay $0x1  }
0x35: {  	v4 =	vadd.s32 v1, v4;
	_ =	sdelay $0x3  }
0x36: {  	s28 =	simm.s32 $0x4100  }
0x37: {  	[tilespmem:s28], [sflag:$0x1] =	stream.indirect_vreg.gather [hbm4b:s3+s2], $0x80, v4, vm0, $0xb8;
	[tilespmem:$0x10100] =	vst v63  }
0x38: {  	s29 =	simm.s32 $0x4900;
	v3 =	vperm.xlane v3, v2  }
0x39: {  	[tilespmem:s29], [sflag:$0x1] =	stream.indirect_vreg.gather [hbm4b:s6+s2], $0x80, v4, vm0, $0xb8;
	[tilespmem:$0x10100] =	vst v63  }
0x3a: {  	s30 =	simm.s32 $0x5100;
	v3 =	vadd.s32 v1, v3  }
0x3b: {  	[tilespmem:s30], [sflag:$0x1] =	stream.indirect_vreg.gather [hbm4b:s7+s2], $0x80, v4, vm0, $0xb8;
	[tilespmem:$0x10100] =	vst v63  }
0x3c: {  	s31 =	simm.s32 $0x5900  }
0x3d: {  	[tilespmem:s31], [sflag:$0x1] =	stream.indirect_vreg.gather [hbm4b:s8+s2], $0x80, v4, vm0, $0xb8;
	[tilespmem:$0x10100] =	vst v63  }
0x3e: {  	s1 =	simm.s32 $0x6100  }
0x3f: {  	[tilespmem:s1], [sflag:$0x1] =	stream.indirect_vreg.gather [hbm4b:s3+s2], $0x80, v3, vm0, $0xb8;
	[tilespmem:$0x10100] =	vst v63  }
0x40: {  	s25 =	simm.s32 $0x6900  }
0x41: {  	[tilespmem:s25], [sflag:$0x1] =	stream.indirect_vreg.gather [hbm4b:s6+s2], $0x80, v3, vm0, $0xb8;
	[tilespmem:$0x10100] =	vst v63  }
0x42: {  	s26 =	simm.s32 $0x7100  }
0x43: {  	[tilespmem:s26], [sflag:$0x1] =	stream.indirect_vreg.gather [hbm4b:s7+s2], $0x80, v3, vm0, $0xb8;
	[tilespmem:$0x10100] =	vst v63  }
0x44: {  	s28 =	simm.s32 $0x7900  }
0x45: {  	[tilespmem:s28], [sflag:$0x1] =	stream.indirect_vreg.gather [hbm4b:s8+s2], $0x80, v3, vm0, $0xb8;
	[tilespmem:$0x10100] =	vst v63  }
0x46: {  	v3 =	vld [tilespmem:$0x80];
	_ =	sdelay $0x4  }
0x47: {  	v62 =	vshll.u32 v3, $0x3  }
0x48: {  	v3 =	vand.u32 $0x7, v3;
	v4 =	vand.u32 $0xFFFFFFC0, v62  }
0x49: {  	v3 =	vor.u32 v3, v4  }
0x4a: {  	v4 =	vperm.xlane v3, v0;
	_ =	sdelay $0x1  }
0x4b: {  	v4 =	vadd.s32 v1, v4;
	_ =	sdelay $0x3  }
0x4c: {  	s29 =	simm.s32 $0x8100  }
0x4d: {  	[tilespmem:s29], [sflag:$0x2] =	stream.indirect_vreg.gather [hbm4b:s3+s2], $0x80, v4, vm0, $0xb8;
	[tilespmem:$0x10100] =	vst v63  }
0x4e: {  	s30 =	simm.s32 $0x8900;
	v3 =	vperm.xlane v3, v2  }
0x4f: {  	[tilespmem:s30], [sflag:$0x2] =	stream.indirect_vreg.gather [hbm4b:s6+s2], $0x80, v4, vm0, $0xb8;
	[tilespmem:$0x10100] =	vst v63  }
0x50: {  	s31 =	simm.s32 $0x9100;
	v3 =	vadd.s32 v1, v3  }
0x51: {  	[tilespmem:s31], [sflag:$0x2] =	stream.indirect_vreg.gather [hbm4b:s7+s2], $0x80, v4, vm0, $0xb8;
	[tilespmem:$0x10100] =	vst v63  }
0x52: {  	_ = 	snop  }
0x53: {  	[tilespmem:s13], [sflag:$0x2] =	stream.indirect_vreg.gather [hbm4b:s8+s2], $0x80, v4, vm0, $0xb8;
	[tilespmem:$0x10100] =	vst v63  }
0x54: {  	_ = 	snop  }
0x55: {  	[tilespmem:s4], [sflag:$0x2] =	stream.indirect_vreg.gather [hbm4b:s3+s2], $0x80, v3, vm0, $0xb8;
	[tilespmem:$0x10100] =	vst v63  }
0x56: {  	_ = 	snop  }
0x57: {  	[tilespmem:s5], [sflag:$0x2] =	stream.indirect_vreg.gather [hbm4b:s6+s2], $0x80, v3, vm0, $0xb8;
	[tilespmem:$0x10100] =	vst v63  }
0x58: {  	_ = 	snop  }
0x59: {  	[tilespmem:s15], [sflag:$0x2] =	stream.indirect_vreg.gather [hbm4b:s7+s2], $0x80, v3, vm0, $0xb8;
	[tilespmem:$0x10100] =	vst v63  }
0x5a: {  	_ = 	snop  }
0x5b: {  	[tilespmem:s10], [sflag:$0x2] =	stream.indirect_vreg.gather [hbm4b:s8+s2], $0x80, v3, vm0, $0xb8;
	[tilespmem:$0x10100] =	vst v63  }
0x5c: {  	v3 =	vld [tilespmem:$0x90];
	_ =	sdelay $0x4  }
0x5d: {  	v63 =	vshll.u32 v3, $0x3  }
0x5e: {  	v3 =	vand.u32 $0x7, v3;
	v4 =	vand.u32 $0xFFFFFFC0, v63  }
0x5f: {  	v3 =	vor.u32 v3, v4  }
0x60: {  	v4 =	vperm.xlane v3, v0;
	_ =	sdelay $0x1  }
0x61: {  	v4 =	vadd.s32 v1, v4;
	_ =	sdelay $0x4  }
0x62: {  	[tilespmem:s16], [sflag:$0x2] =	stream.indirect_vreg.gather [hbm4b:s3+s2], $0x80, v4, vm0, $0xb8;
	[tilespmem:$0x10100] =	vst v63  }
0x63: {  	v3 =	vperm.xlane v3, v2  }
0x64: {  	[tilespmem:s11], [sflag:$0x2] =	stream.indirect_vreg.gather [hbm4b:s6+s2], $0x80, v4, vm0, $0xb8;
	[tilespmem:$0x10100] =	vst v63  }
0x65: {  	v3 =	vadd.s32 v1, v3  }
0x66: {  	[tilespmem:s17], [sflag:$0x2] =	stream.indirect_vreg.gather [hbm4b:s7+s2], $0x80, v4, vm0, $0xb8;
	[tilespmem:$0x10100] =	vst v63  }
0x67: {  	_ = 	snop  }
0x68: {  	[tilespmem:s18], [sflag:$0x2] =	stream.indirect_vreg.gather [hbm4b:s8+s2], $0x80, v4, vm0, $0xb8;
	[tilespmem:$0x10100] =	vst v63  }
0x69: {  	_ = 	snop  }
0x6a: {  	[tilespmem:s19], [sflag:$0x2] =	stream.indirect_vreg.gather [hbm4b:s3+s2], $0x80, v3, vm0, $0xb8;
	[tilespmem:$0x10100] =	vst v63  }
0x6b: {  	_ = 	snop  }
0x6c: {  	[tilespmem:s20], [sflag:$0x2] =	stream.indirect_vreg.gather [hbm4b:s6+s2], $0x80, v3, vm0, $0xb8;
	[tilespmem:$0x10100] =	vst v63  }
0x6d: {  	_ = 	snop  }
0x6e: {  	[tilespmem:s21], [sflag:$0x2] =	stream.indirect_vreg.gather [hbm4b:s7+s2], $0x80, v3, vm0, $0xb8;
	[tilespmem:$0x10100] =	vst v63  }
0x6f: {  	_ = 	snop  }
0x70: {  	[tilespmem:s22], [sflag:$0x2] =	stream.indirect_vreg.gather [hbm4b:s8+s2], $0x80, v3, vm0, $0xb8;
	[tilespmem:$0x10100] =	vst v63  }
0x71: {  	_ =	swait.ge [sflag:s23], $0x8000  }
0x72: {  	[sflag:s23] =	ssyncset.done $0x0  }
0x73: {  	[sflag:s23] =	ssyncadd.s32 $0xFFFF8000  }
0x74: {  	_ =	swait.ge [sflag:s24], $0x8000  }
0x75: {  	[sflag:s24] =	ssyncset.done $0x0  }
0x76: {  	s25 =	simm.s32 $0x0;
	[sflag:s24] =	ssyncadd.s32 $0xFFFF8000  }
.LBB2_2:
0x77: {  	s0 =	sshll.u32 s25, $0xA;
	s1 =	sshll.u32 s25, $0x7  }
0x78: {  	s28 =	simm.s32 $0x0;
	s0 =	sand.u32 $0x6000, s0;
	s1 =	sand.u32 $0x380, s1  }
0x79: {  	s26 =	sor.u32 s0, s1;
	s0 =	sand.u32 $0x1C00, s28  }
0x7a: {  	s1 =	sand.u32 $0x70, s28;
	s0 =	sor.u32 s0, s26  }
0x7b: {  	s28 =	sor.u32 s1, s0  }
0x7c: {  	v3 =	vld [tilespmem:s28+$0x8100]  }
0x7d: {  	v4 =	vld [tilespmem:s28+$0x100];
	_ =	sdelay $0x2  }
0x7e: {  	s29 =	simm.s32 $0x80  }
0x7f: {  	s0 =	simm.s32 $0x10;
	s1 =	sand.u32 $0x1C00, s29  }
0x80: {  	s30 =	simm.s32 $0x20;
	s31 =	sand.u32 $0x70, s0;
	s1 =	sor.u32 s1, s26;
	v3 =	vadd.f32 v3, v4  }
.LBB2_3:
0x81: {  	p0 =	sne.s32 s30, $0x3F0;
	s0 =	sor.u32 s31, s1  }
0x82: {  	v4 =	vld [tilespmem:s0+$0x8100];
	[tilespmem:s28+$0x100] =	vst v3;
	s28 =	smov.u32 s0  }
0x83: {  	v3 =	vld [tilespmem:s28+$0x100]  }
.Ltmp0:
0x84: {  	(pc) =	sbr.rel @p0 .LBB2_3-.Ltmp0, $4  }
0x85: {  	_ = 	snop  }
0x86: {  	s29 =	sadd.s32 $0x80, s29  }
0x87: {  	s0 =	sand.u32 $0x1C00, s29  }
0x88: {  	s31 =	sand.u32 $0x70, s30;
	s30 =	sadd.s32 $0x10, s30;
	s1 =	sor.u32 s0, s26;
	v3 =	vadd.f32 v4, v3  }
0x89: {  	s0 =	sor.u32 s31, s1  }
0x8a: {  	v4 =	vld [tilespmem:s0+$0x8100];
	[tilespmem:s28+$0x100] =	vst v3  }
0x8b: {  	v3 =	vld [tilespmem:s0+$0x100]  }
0x8c: {  	s25 =	sadd.s32 $0x1, s25  }
0x8d: {  	p0 =	sne.s32 s25, $0x20  }
.Ltmp1:
0x8e: {  	_ = 	snop;
	(pc) =	sbr.rel @p0 .LBB2_2-.Ltmp1, $3  }
0x8f: {  	_ = 	snop  }
0x90: {  	v3 =	vadd.f32 v4, v3;
	_ =	sdelay $0x1  }
0x91: {  	[tilespmem:s0+$0x100] =	vst v3  }
0x92: {  	s25 =	simm.s32 $0x0;
	s0 =	rddreg [dreg:$0x5]  }
0x93: {  	[hbm4b:s0+s25] =	stream.linear.scatter [tilespmem:s14], [sflag:$0x3], $0x8000, $0x38;
	[tilespmem:$0x10100] =	vst v63  }
0x94: {  	_ =	swait.ge [sflag:s12], $0x8000  }
0x95: {  	[sflag:s12] =	ssyncset.done $0x0  }
0x96: {  	[sflag:s12] =	ssyncadd.s32 $0xFFFF8000  }
0x97: {  	v3 =	vld [tilespmem:$0x20];
	_ =	sdelay $0x4  }
0x98: {  	v4 =	vshll.u32 v3, $0x3  }
0x99: {  	v3 =	vand.u32 $0x7, v3;
	v4 =	vand.u32 $0xFFFFFFC0, v4  }
0x9a: {  	v3 =	vor.u32 v3, v4  }
0x9b: {  	v4 =	vperm.xlane v3, v0;
	_ =	sdelay $0x1  }
0x9c: {  	v4 =	vadd.s32 v1, v4;
	_ =	sdelay $0x4  }
0x9d: {  	[tilespmem:s14], [sflag:$0x1] =	stream.indirect_vreg.gather [hbm4b:s3+s25], $0x80, v4, vm0, $0xb8;
	[tilespmem:$0x10100] =	vst v63  }
0x9e: {  	s1 =	simm.s32 $0x900;
	v3 =	vperm.xlane v3, v2  }
0x9f: {  	[tilespmem:s1], [sflag:$0x1] =	stream.indirect_vreg.gather [hbm4b:s6+s25], $0x80, v4, vm0, $0xb8;
	[tilespmem:$0x10100] =	vst v63  }
0xa0: {  	s26 =	simm.s32 $0x1100;
	v3 =	vadd.s32 v1, v3  }
0xa1: {  	[tilespmem:s26], [sflag:$0x1] =	stream.indirect_vreg.gather [hbm4b:s7+s25], $0x80, v4, vm0, $0xb8;
	[tilespmem:$0x10100] =	vst v63  }
0xa2: {  	s28 =	simm.s32 $0x1900  }
0xa3: {  	[tilespmem:s28], [sflag:$0x1] =	stream.indirect_vreg.gather [hbm4b:s8+s25], $0x80, v4, vm0, $0xb8;
	[tilespmem:$0x10100] =	vst v63  }
0xa4: {  	s29 =	simm.s32 $0x2100  }
0xa5: {  	[tilespmem:s29], [sflag:$0x1] =	stream.indirect_vreg.gather [hbm4b:s3+s25], $0x80, v3, vm0, $0xb8;
	[tilespmem:$0x10100] =	vst v63  }
0xa6: {  	s30 =	simm.s32 $0x2900  }
0xa7: {  	[tilespmem:s30], [sflag:$0x1] =	stream.indirect_vreg.gather [hbm4b:s6+s25], $0x80, v3, vm0, $0xb8;
	[tilespmem:$0x10100] =	vst v63  }
0xa8: {  	s31 =	simm.s32 $0x3100  }
0xa9: {  	[tilespmem:s31], [sflag:$0x1] =	stream.indirect_vreg.gather [hbm4b:s7+s25], $0x80, v3, vm0, $0xb8;
	[tilespmem:$0x10100] =	vst v63  }
0xaa: {  	s1 =	simm.s32 $0x3900  }
0xab: {  	[tilespmem:s1], [sflag:$0x1] =	stream.indirect_vreg.gather [hbm4b:s8+s25], $0x80, v3, vm0, $0xb8;
	[tilespmem:$0x10100] =	vst v63  }
0xac: {  	v3 =	vld [tilespmem:$0x30];
	_ =	sdelay $0x4  }
0xad: {  	v61 =	vshll.u32 v3, $0x3  }
0xae: {  	v3 =	vand.u32 $0x7, v3;
	v4 =	vand.u32 $0xFFFFFFC0, v61  }
0xaf: {  	v3 =	vor.u32 v3, v4  }
0xb0: {  	v4 =	vperm.xlane v3, v0;
	_ =	sdelay $0x1  }
0xb1: {  	v4 =	vadd.s32 v1, v4;
	_ =	sdelay $0x3  }
0xb2: {  	s26 =	simm.s32 $0x4100  }
0xb3: {  	[tilespmem:s26], [sflag:$0x1] =	stream.indirect_vreg.gather [hbm4b:s3+s25], $0x80, v4, vm0, $0xb8;
	[tilespmem:$0x10100] =	vst v63  }
0xb4: {  	s28 =	simm.s32 $0x4900;
	v3 =	vperm.xlane v3, v2  }
0xb5: {  	[tilespmem:s28], [sflag:$0x1] =	stream.indirect_vreg.gather [hbm4b:s6+s25], $0x80, v4, vm0, $0xb8;
	[tilespmem:$0x10100] =	vst v63  }
0xb6: {  	s29 =	simm.s32 $0x5100;
	v3 =	vadd.s32 v1, v3  }
0xb7: {  	[tilespmem:s29], [sflag:$0x1] =	stream.indirect_vreg.gather [hbm4b:s7+s25], $0x80, v4, vm0, $0xb8;
	[tilespmem:$0x10100] =	vst v63  }
0xb8: {  	s30 =	simm.s32 $0x5900  }
0xb9: {  	[tilespmem:s30], [sflag:$0x1] =	stream.indirect_vreg.gather [hbm4b:s8+s25], $0x80, v4, vm0, $0xb8;
	[tilespmem:$0x10100] =	vst v63  }
0xba: {  	s31 =	simm.s32 $0x6100  }
0xbb: {  	[tilespmem:s31], [sflag:$0x1] =	stream.indirect_vreg.gather [hbm4b:s3+s25], $0x80, v3, vm0, $0xb8;
	[tilespmem:$0x10100] =	vst v63  }
0xbc: {  	s1 =	simm.s32 $0x6900  }
0xbd: {  	[tilespmem:s1], [sflag:$0x1] =	stream.indirect_vreg.gather [hbm4b:s6+s25], $0x80, v3, vm0, $0xb8;
	[tilespmem:$0x10100] =	vst v63  }
0xbe: {  	s26 =	simm.s32 $0x7100  }
0xbf: {  	[tilespmem:s26], [sflag:$0x1] =	stream.indirect_vreg.gather [hbm4b:s7+s25], $0x80, v3, vm0, $0xb8;
	[tilespmem:$0x10100] =	vst v63  }
0xc0: {  	s28 =	simm.s32 $0x7900  }
0xc1: {  	[tilespmem:s28], [sflag:$0x1] =	stream.indirect_vreg.gather [hbm4b:s8+s25], $0x80, v3, vm0, $0xb8;
	[tilespmem:$0x10100] =	vst v63  }
0xc2: {  	v3 =	vld [tilespmem:$0xA0];
	_ =	sdelay $0x4  }
0xc3: {  	v62 =	vshll.u32 v3, $0x3  }
0xc4: {  	v3 =	vand.u32 $0x7, v3;
	v4 =	vand.u32 $0xFFFFFFC0, v62  }
0xc5: {  	v3 =	vor.u32 v3, v4  }
0xc6: {  	v4 =	vperm.xlane v3, v0;
	_ =	sdelay $0x1  }
0xc7: {  	v4 =	vadd.s32 v1, v4;
	_ =	sdelay $0x3  }
0xc8: {  	s29 =	simm.s32 $0x8100  }
0xc9: {  	[tilespmem:s29], [sflag:$0x2] =	stream.indirect_vreg.gather [hbm4b:s3+s25], $0x80, v4, vm0, $0xb8;
	[tilespmem:$0x10100] =	vst v63  }
0xca: {  	s30 =	simm.s32 $0x8900;
	v3 =	vperm.xlane v3, v2  }
0xcb: {  	[tilespmem:s30], [sflag:$0x2] =	stream.indirect_vreg.gather [hbm4b:s6+s25], $0x80, v4, vm0, $0xb8;
	[tilespmem:$0x10100] =	vst v63  }
0xcc: {  	s31 =	simm.s32 $0x9100;
	v3 =	vadd.s32 v1, v3  }
0xcd: {  	[tilespmem:s31], [sflag:$0x2] =	stream.indirect_vreg.gather [hbm4b:s7+s25], $0x80, v4, vm0, $0xb8;
	[tilespmem:$0x10100] =	vst v63  }
0xce: {  	_ = 	snop  }
0xcf: {  	[tilespmem:s13], [sflag:$0x2] =	stream.indirect_vreg.gather [hbm4b:s8+s25], $0x80, v4, vm0, $0xb8;
	[tilespmem:$0x10100] =	vst v63  }
0xd0: {  	_ = 	snop  }
0xd1: {  	[tilespmem:s4], [sflag:$0x2] =	stream.indirect_vreg.gather [hbm4b:s3+s25], $0x80, v3, vm0, $0xb8;
	[tilespmem:$0x10100] =	vst v63  }
0xd2: {  	_ = 	snop  }
0xd3: {  	[tilespmem:s5], [sflag:$0x2] =	stream.indirect_vreg.gather [hbm4b:s6+s25], $0x80, v3, vm0, $0xb8;
	[tilespmem:$0x10100] =	vst v63  }
0xd4: {  	_ = 	snop  }
0xd5: {  	[tilespmem:s15], [sflag:$0x2] =	stream.indirect_vreg.gather [hbm4b:s7+s25], $0x80, v3, vm0, $0xb8;
	[tilespmem:$0x10100] =	vst v63  }
0xd6: {  	_ = 	snop  }
0xd7: {  	[tilespmem:s10], [sflag:$0x2] =	stream.indirect_vreg.gather [hbm4b:s8+s25], $0x80, v3, vm0, $0xb8;
	[tilespmem:$0x10100] =	vst v63  }
0xd8: {  	v3 =	vld [tilespmem:$0xB0];
	_ =	sdelay $0x4  }
0xd9: {  	v63 =	vshll.u32 v3, $0x3  }
0xda: {  	v3 =	vand.u32 $0x7, v3;
	v4 =	vand.u32 $0xFFFFFFC0, v63  }
0xdb: {  	v3 =	vor.u32 v3, v4  }
0xdc: {  	v4 =	vperm.xlane v3, v0;
	_ =	sdelay $0x1  }
0xdd: {  	v4 =	vadd.s32 v1, v4;
	_ =	sdelay $0x4  }
0xde: {  	[tilespmem:s16], [sflag:$0x2] =	stream.indirect_vreg.gather [hbm4b:s3+s25], $0x80, v4, vm0, $0xb8;
	[tilespmem:$0x10100] =	vst v63  }
0xdf: {  	v3 =	vperm.xlane v3, v2  }
0xe0: {  	[tilespmem:s11], [sflag:$0x2] =	stream.indirect_vreg.gather [hbm4b:s6+s25], $0x80, v4, vm0, $0xb8;
	[tilespmem:$0x10100] =	vst v63  }
0xe1: {  	v3 =	vadd.s32 v1, v3  }
0xe2: {  	[tilespmem:s17], [sflag:$0x2] =	stream.indirect_vreg.gather [hbm4b:s7+s25], $0x80, v4, vm0, $0xb8;
	[tilespmem:$0x10100] =	vst v63  }
0xe3: {  	_ = 	snop  }
0xe4: {  	[tilespmem:s18], [sflag:$0x2] =	stream.indirect_vreg.gather [hbm4b:s8+s25], $0x80, v4, vm0, $0xb8;
	[tilespmem:$0x10100] =	vst v63  }
0xe5: {  	_ = 	snop  }
0xe6: {  	[tilespmem:s19], [sflag:$0x2] =	stream.indirect_vreg.gather [hbm4b:s3+s25], $0x80, v3, vm0, $0xb8;
	[tilespmem:$0x10100] =	vst v63  }
0xe7: {  	_ = 	snop  }
0xe8: {  	[tilespmem:s20], [sflag:$0x2] =	stream.indirect_vreg.gather [hbm4b:s6+s25], $0x80, v3, vm0, $0xb8;
	[tilespmem:$0x10100] =	vst v63  }
0xe9: {  	_ = 	snop  }
0xea: {  	[tilespmem:s21], [sflag:$0x2] =	stream.indirect_vreg.gather [hbm4b:s7+s25], $0x80, v3, vm0, $0xb8;
	[tilespmem:$0x10100] =	vst v63  }
0xeb: {  	_ = 	snop  }
0xec: {  	[tilespmem:s22], [sflag:$0x2] =	stream.indirect_vreg.gather [hbm4b:s8+s25], $0x80, v3, vm0, $0xb8;
	[tilespmem:$0x10100] =	vst v63  }
0xed: {  	_ =	swait.ge [sflag:s23], $0x8000  }
0xee: {  	[sflag:s23] =	ssyncset.done $0x0  }
0xef: {  	[sflag:s23] =	ssyncadd.s32 $0xFFFF8000  }
0xf0: {  	_ =	swait.ge [sflag:s24], $0x8000  }
0xf1: {  	[sflag:s24] =	ssyncset.done $0x0  }
0xf2: {  	s26 =	simm.s32 $0x0;
	[sflag:s24] =	ssyncadd.s32 $0xFFFF8000  }
.LBB2_6:
0xf3: {  	s0 =	sshll.u32 s26, $0xA;
	s1 =	sshll.u32 s26, $0x7  }
0xf4: {  	s0 =	sand.u32 $0x6000, s0;
	s1 =	sand.u32 $0x380, s1  }
0xf5: {  	s28 =	sor.u32 s0, s1;
	s0 =	sand.u32 $0x1C00, s25  }
0xf6: {  	s1 =	sand.u32 $0x70, s25;
	s0 =	sor.u32 s0, s28  }
0xf7: {  	s29 =	sor.u32 s1, s0  }
0xf8: {  	v3 =	vld [tilespmem:s29+$0x8100]  }
0xf9: {  	v4 =	vld [tilespmem:s29+$0x100];
	_ =	sdelay $0x2  }
0xfa: {  	s30 =	simm.s32 $0x80  }
0xfb: {  	s31 =	sand.u32 $0x1C00, s30;
	s1 =	simm.s32 $0x10  }
0xfc: {  	s0 =	sor.u32 s31, s28;
	s31 =	simm.s32 $0x20;
	s1 =	sand.u32 $0x70, s1;
	v3 =	vadd.f32 v3, v4  }
.LBB2_7:
0xfd: {  	p0 =	sne.s32 s31, $0x3F0;
	s0 =	sor.u32 s1, s0  }
0xfe: {  	v4 =	vld [tilespmem:s0+$0x8100];
	[tilespmem:s29+$0x100] =	vst v3;
	s29 =	smov.u32 s0  }
0xff: {  	v3 =	vld [tilespmem:s29+$0x100]  }
.Ltmp2:
0x100: {  	(pc) =	sbr.rel @p0 .LBB2_7-.Ltmp2, $4  }
0x101: {  	_ = 	snop  }
0x102: {  	s30 =	sadd.s32 $0x80, s30  }
0x103: {  	s0 =	sand.u32 $0x1C00, s30  }
0x104: {  	s1 =	sand.u32 $0x70, s31;
	s31 =	sadd.s32 $0x10, s31;
	s0 =	sor.u32 s0, s28;
	v3 =	vadd.f32 v4, v3  }
0x105: {  	s0 =	sor.u32 s1, s0  }
0x106: {  	v4 =	vld [tilespmem:s0+$0x8100];
	[tilespmem:s29+$0x100] =	vst v3  }
0x107: {  	v3 =	vld [tilespmem:s0+$0x100]  }
0x108: {  	s26 =	sadd.s32 $0x1, s26  }
0x109: {  	p0 =	sne.s32 s26, $0x20  }
.Ltmp3:
0x10a: {  	_ = 	snop;
	(pc) =	sbr.rel @p0 .LBB2_6-.Ltmp3, $3  }
0x10b: {  	_ = 	snop  }
0x10c: {  	v3 =	vadd.f32 v4, v3;
	_ =	sdelay $0x1  }
0x10d: {  	[tilespmem:s0+$0x100] =	vst v3  }
0x10e: {  	s0 =	rddreg [dreg:$0x6]  }
0x10f: {  	[hbm4b:s0+s2] =	stream.linear.scatter [tilespmem:s14], [sflag:$0x3], $0x8000, $0x38;
	[tilespmem:$0x10100] =	vst v63  }
0x110: {  	_ =	swait.ge [sflag:s12], $0x8000  }
0x111: {  	s9 =	sadd.s32 $0x1, s9;
	s31 =	rddreg [dreg:$0x7]  }
0x112: {  	p0 =	sne.s32 s9, s31  }
.Ltmp4:
0x113: {  	_ = 	snop;
	(pc) =	sbr.rel @p0 .LBB2_1-.Ltmp4, $3  }
0x114: {  	_ =	sdelay $0x1  }
0x115: {  	[sflag:s12] =	ssyncset.done $0x0  }
0x116: {  	[sflag:s12] =	ssyncadd.s32 $0xFFFF8000  }
0x117: {  	_ =	sfence.sel $0x180000  }
0x118: {  	[bflag:$0x0] =	sbarrier.arrive $0xFFFF  }
0x119: {  	_ =	strace $0x9000004A  }
0x11a: {  	s0 =	stileid.u32;
	[bflag:$0x2] =	sbarrier.arrive $0xFFFF  }
0x11b: {  	p0 =	sne.s32 s0, $0x0;
	s0 =	rddreg [dreg:$0x2]  }
0x11c: {  	s0 =	sadd.s32 @!p0 $0x100000, s0  }
0x11d: {  	[sflag:s0] =	ssyncadd.tile.s32 @!p0 $0x1;
	_ =	shalt  }
.Lfunc_end2:
_tile_overlayer_lowered:
.L_overlay_start_2:
0x11e: {  	(tag) =	ssettag $0x2  }
0x11f: {  	s0 =	rddreg [dreg:$0x0];
	s2 =	stileid.u32  }
0x120: {  	s1 =	rddreg [dreg:$0x1];
	p0 =	sne.s32 s2, $0x0  }
0x121: {  	s3 =	rddreg [dreg:$0x2];
	[bflag:$0x3] =	sbarrier.arrive $0xFFFF;
	s2 =	simm.s32 @!p0 $0x1C03  }
0x122: {  	[timem:s3], [sflag:s2] =	dma.local @!p0 [hbm:s0], s1  }
0x123: {  	s0 =	simm.s32 @!p0 $0x3  }
0x124: {  	_ =	swait.ge @!p0 [sflag:s0], s1  }
0x125: {  	s1 =	ssub.s32 @!p0 $0x0, s1;
	[sflag:s0] =	ssyncset.done @!p0 $0x0  }
0x126: {  	[sflag:s0] =	ssyncadd.s32 @!p0 s1  }
0x127: {  	[bflag:$0x3] =	sbarrier.arrive $0xFFFF  }
0x128: {  	_ =	shalt  }

</sc_bundles>
